<compile_context>
chip_gen: v7x
topology: tpu7x:2x2x1
jax: 0.10.2.dev20260603
libtpu: 0.0.44.dev20260713+nightly
codegen_flags: <defaults>
</compile_context>

<pallas_src>
import functools

import jax
import jax.numpy as jnp
from jax import lax
from jax.experimental import pallas as pl
from jax.experimental.pallas import tpu as pltpu
from jax.experimental.pallas import tpu_sc as plsc

N = 10000
E = 320000
D = 128
DE = 16

NC = 2
NS = 16
NW = NC * NS
EPT = E // NW
K = 128
CH = 78
KT = EPT - CH * K
N_PAD = 10112
ROWS_PER_TILE = N_PAD // NS


def _sc_scatter(x, edge_index, edge_attr, zeros_big, zeros_se):
    mesh = plsc.VectorSubcoreMesh(core_axis_name="c", subcore_axis_name="s")

    @functools.partial(
        pl.kernel,
        out_type=(
            jax.ShapeDtypeStruct((NC, N_PAD, D), jnp.float32),
            jax.ShapeDtypeStruct((NC, N_PAD, DE), jnp.float32),
        ),
        mesh=mesh,
        scratch_types=[
            pltpu.VMEM((K,), jnp.int32),
            pltpu.VMEM((K,), jnp.int32),
            pltpu.VMEM((K,), jnp.int32),
            pltpu.VMEM((K,), jnp.int32),
            pltpu.VMEM((KT,), jnp.int32),
            pltpu.VMEM((KT,), jnp.int32),
            pltpu.VMEM((K, D), jnp.float32),
            pltpu.VMEM((K, D), jnp.float32),
            pltpu.VMEM((KT, D), jnp.float32),
            pltpu.VMEM((K, DE), jnp.float32),
            pltpu.VMEM((K, DE), jnp.float32),
            pltpu.VMEM((KT, DE), jnp.float32),
            pltpu.VMEM_SHARED((N_PAD, D), jnp.float32),
            pltpu.VMEM_SHARED((N_PAD, DE), jnp.float32),
            pltpu.SemaphoreType.DMA,
            pltpu.SemaphoreType.DMA,
            pltpu.SemaphoreType.DMA,
            pltpu.SemaphoreType.DMA,
            pltpu.SemaphoreType.DMA,
            pltpu.SemaphoreType.DMA,
        ],
        compiler_params=pltpu.CompilerParams(use_tc_tiling_on_sc=False),
    )
    def sc_body(x_hbm, ei_hbm, ea_hbm, z_hbm, zse_hbm,
                agg_out, se_out, srcv0, srcv1, dstv0, dstv1, srct, dstt,
                rows0, rows1, rowst, eab0, eab1, eat,
                agg_sh, se_sh, si0, si1, sg0, sg1, ss0, ss1):
        cid = lax.axis_index("c")
        sid = lax.axis_index("s")
        wid = cid * NS + sid
        base = wid * EPT
        srcv = (srcv0, srcv1)
        dstv = (dstv0, dstv1)
        rows = (rows0, rows1)
        eab = (eab0, eab1)
        si = (si0, si1)
        sg = (sg0, sg1)
        ss = (ss0, ss1)

        r0 = sid * ROWS_PER_TILE
        pltpu.sync_copy(z_hbm, rows0)
        pltpu.sync_copy(zse_hbm, eab0)
        for j, sz in ((0, K), (1, K), (2, K), (3, K), (4, ROWS_PER_TILE - 4 * K)):
            pltpu.sync_copy(rows0.at[pl.ds(0, sz)],
                            agg_sh.at[pl.ds(r0 + j * K, sz)])
            pltpu.sync_copy(eab0.at[pl.ds(0, sz)],
                            se_sh.at[pl.ds(r0 + j * K, sz)])
        plsc.subcore_barrier()

        def idx_start(i, b):
            pltpu.async_copy(ei_hbm.at[0, pl.ds(base + i * K, K)], srcv[b], si[b])
            pltpu.async_copy(ei_hbm.at[1, pl.ds(base + i * K, K)], dstv[b], si[b])

        def idx_wait(i, b):
            pltpu.make_async_copy(ei_hbm.at[0, pl.ds(base + i * K, K)],
                                  srcv[b], si[b]).wait()
            pltpu.make_async_copy(ei_hbm.at[1, pl.ds(base + i * K, K)],
                                  dstv[b], si[b]).wait()

        def gather_start(i, b):
            pltpu.async_copy(x_hbm.at[srcv[b]], rows[b], sg[b])
            pltpu.async_copy(ea_hbm.at[pl.ds(base + i * K, K)], eab[b], sg[b])

        idx_start(0, 0)
        idx_start(1, 1)
        idx_wait(0, 0)
        gather_start(0, 0)

        def stage(i, b):
            @pl.when(i + 1 < CH)
            def _():
                idx_wait(i + 1, 1 - b)
                gather_start(i + 1, 1 - b)

            pltpu.make_async_copy(x_hbm.at[srcv[b]], rows[b], sg[b]).wait()
            pltpu.make_async_copy(ea_hbm.at[pl.ds(base + i * K, K)],
                                  eab[b], sg[b]).wait()
            pltpu.async_copy(rows[b], agg_sh.at[dstv[b]], ss[b], add=True)
            pltpu.async_copy(eab[b], se_sh.at[dstv[b]], ss[b], add=True)
            pltpu.make_async_copy(rows[b], agg_sh.at[dstv[b]], ss[b]).wait()
            pltpu.make_async_copy(eab[b], se_sh.at[dstv[b]], ss[b]).wait()

            @pl.when(i + 2 < CH)
            def _():
                idx_start(i + 2, b)

        def pair(g, carry):
            stage(2 * g, 0)
            stage(2 * g + 1, 1)
            return carry

        lax.fori_loop(0, CH // 2, pair, 0)

        toff = base + CH * K
        pltpu.sync_copy(ei_hbm.at[0, pl.ds(toff, KT)], srct)
        pltpu.sync_copy(ei_hbm.at[1, pl.ds(toff, KT)], dstt)
        pltpu.sync_copy(ea_hbm.at[pl.ds(toff, KT)], eat)
        pltpu.async_copy(x_hbm.at[srct], rowst, sg0).wait()
        pltpu.async_copy(rowst, agg_sh.at[dstt], ss0, add=True)
        pltpu.async_copy(eat, se_sh.at[dstt], ss0, add=True)
        pltpu.make_async_copy(rowst, agg_sh.at[dstt], ss0).wait()
        pltpu.make_async_copy(eat, se_sh.at[dstt], ss0).wait()
        plsc.subcore_barrier()

        for j, sz in ((0, K), (1, K), (2, K), (3, K), (4, ROWS_PER_TILE - 4 * K)):
            pltpu.sync_copy(agg_sh.at[pl.ds(r0 + j * K, sz)],
                            rows0.at[pl.ds(0, sz)])
            pltpu.sync_copy(rows0.at[pl.ds(0, sz)],
                            agg_out.at[cid, pl.ds(r0 + j * K, sz)])
            pltpu.sync_copy(se_sh.at[pl.ds(r0 + j * K, sz)],
                            eab0.at[pl.ds(0, sz)])
            pltpu.sync_copy(eab0.at[pl.ds(0, sz)],
                            se_out.at[cid, pl.ds(r0 + j * K, sz)])

    return sc_body(x, edge_index, edge_attr, zeros_big, zeros_se)


def _tc_body(aggp_ref, sep_ref, x_ref, We_ref, Wr_ref, br_ref, Wo_ref,
             g_ref, be_ref, out_ref):
    agg = aggp_ref[0, :N, :] + aggp_ref[1, :N, :]
    se = sep_ref[0, :N, :] + sep_ref[1, :N, :]
    x = x_ref[...]
    ea = lax.dot_general(se, We_ref[...], (((1,), (1,)), ((), ())),
                         preferred_element_type=jnp.float32)
    m = agg + ea
    pre = lax.dot_general(m, Wr_ref[...], (((1,), (1,)), ((), ())),
                          preferred_element_type=jnp.float32)
    pre = pre + lax.dot_general(x, Wo_ref[...], (((1,), (1,)), ((), ())),
                                preferred_element_type=jnp.float32)
    pre = pre + br_ref[...]
    pre = jnp.maximum(pre, 0.0)
    mean = jnp.mean(pre, axis=0, keepdims=True)
    var = jnp.mean((pre - mean) ** 2, axis=0, keepdims=True)
    out_ref[...] = (pre - mean) * lax.rsqrt(var + 1e-5) * g_ref[...] + be_ref[...]


def kernel(x, edge_index, edge_attr, W_edge, W_rel, b_rel, W_root, gamma, beta):
    ei = edge_index.astype(jnp.int32)
    zeros_big = jnp.zeros((K, D), jnp.float32)
    zeros_se = jnp.zeros((K, DE), jnp.float32)

    aggp, sep = _sc_scatter(x, ei, edge_attr, zeros_big, zeros_se)

    out = pl.pallas_call(
        _tc_body,
        out_shape=jax.ShapeDtypeStruct((N, D), jnp.float32),
    )(aggp, sep, x, W_edge, W_rel, b_rel.reshape(1, D), W_root,
      gamma.reshape(1, D), beta.reshape(1, D))
    return out

# --- scband reference (transcript-rebuilt; emitter-appended) ---
"""Pipeline reference for scband-res-graph-module-11020886081778 (READ-ONLY COPY).

The authoritative reference and input builder live on the scoring server;
editing this copy changes nothing except your own understanding.
"""

import jax, jax.numpy as jnp
import numpy as np

N_NODES = 10000
N_EDGES = 320000
D_IN = 128
D_OUT = 128
D_EDGE = 16
EPS = 1e-5


def setup_inputs(seed: int = 0) -> dict:
    key = jax.random.key(seed)
    ks = jax.random.split(key, 10)
    x = jax.random.normal(ks[0], (N_NODES, D_IN), dtype=jnp.float32)
    edge_index = jax.random.randint(ks[1], (2, N_EDGES), 0, N_NODES, dtype=jnp.int64 if jax.config.jax_enable_x64 else jnp.int32).astype(jnp.int32)
    edge_attr = jax.random.normal(ks[2], (N_EDGES, D_EDGE), dtype=jnp.float32)
    # parameters
    W_edge = jax.random.normal(ks[3], (D_IN, D_EDGE), dtype=jnp.float32) * (1.0 / np.sqrt(D_EDGE))
    W_rel = jax.random.normal(ks[4], (D_OUT, D_IN), dtype=jnp.float32) * (1.0 / np.sqrt(D_IN))
    b_rel = jnp.zeros((D_OUT,), dtype=jnp.float32)
    W_root = jax.random.normal(ks[5], (D_OUT, D_IN), dtype=jnp.float32) * (1.0 / np.sqrt(D_IN))
    gamma = jnp.ones((D_OUT,), dtype=jnp.float32)
    beta = jnp.zeros((D_OUT,), dtype=jnp.float32)
    return {"x": x, "edge_index": edge_index, "edge_attr": edge_attr,
            "W_edge": W_edge, "W_rel": W_rel, "b_rel": b_rel,
            "W_root": W_root, "gamma": gamma, "beta": beta}


def reference(x, edge_index, edge_attr, W_edge, W_rel, b_rel, W_root, gamma, beta):
    # edge_lin: project edge features to in_channels (no bias)
    ea = edge_attr @ W_edge.T                      # [E, D_IN]
    src = edge_index[0]
    dst = edge_index[1]
    # GraphConv (aggr='add'): out = lin_rel(sum_{j->i}(x_j + e_ji)) + lin_root(x_i)
    msg = x[src] + ea                               # gather + add  [E, D_IN]
    agg = jax.ops.segment_sum(msg, dst, num_segments=N_NODES)  # scatter-add [N, D_IN]
    out = agg @ W_rel.T + b_rel + x @ W_root.T     # [N, D_OUT]
    # ReLU
    out = jnp.maximum(out, 0.0)
    # BatchNorm1d (training-mode batch statistics, biased variance)
    mean = jnp.mean(out, axis=0)
    var = jnp.mean((out - mean) ** 2, axis=0)
    out = (out - mean) / jnp.sqrt(var + EPS) * gamma + beta
    return out

if __name__ == "__main__":
    import jax
    _d = setup_inputs()
    print(jax.jit(kernel)(*tuple(_d.values())))

</pallas_src>

<mosaic_0001>
#map = affine_map<(d0, d1) -> (0, 0)>
#map1 = affine_map<(d0, d1) -> (0, 0, 0)>
module attributes {stable_mosaic.version = 14 : i64} {
  func.func @sc_body(%arg0: i32, %arg1: i32, %arg2: memref<10000x128xf32, #tpu.memory_space<hbm>>, %arg3: memref<2x320000xi32, #tpu.memory_space<hbm>>, %arg4: memref<320000x16xf32, #tpu.memory_space<hbm>>, %arg5: memref<128x128xf32, #tpu.memory_space<hbm>>, %arg6: memref<128x16xf32, #tpu.memory_space<hbm>>, %arg7: memref<2x10112x128xf32, #tpu.memory_space<hbm>>, %arg8: memref<2x10112x16xf32, #tpu.memory_space<hbm>>, %arg9: memref<128xi32, #tpu.memory_space<vmem>>, %arg10: memref<128xi32, #tpu.memory_space<vmem>>, %arg11: memref<128xi32, #tpu.memory_space<vmem>>, %arg12: memref<128xi32, #tpu.memory_space<vmem>>, %arg13: memref<16xi32, #tpu.memory_space<vmem>>, %arg14: memref<16xi32, #tpu.memory_space<vmem>>, %arg15: memref<128x128xf32, #tpu.memory_space<vmem>>, %arg16: memref<128x128xf32, #tpu.memory_space<vmem>>, %arg17: memref<16x128xf32, #tpu.memory_space<vmem>>, %arg18: memref<128x16xf32, #tpu.memory_space<vmem>>, %arg19: memref<128x16xf32, #tpu.memory_space<vmem>>, %arg20: memref<16x16xf32, #tpu.memory_space<vmem>>, %arg21: memref<10112x128xf32, #tpu.memory_space<vmem_shared>>, %arg22: memref<10112x16xf32, #tpu.memory_space<vmem_shared>>, %arg23: memref<!tpu.dma_semaphore, #tpu.memory_space<semaphore_mem>>, %arg24: memref<!tpu.dma_semaphore, #tpu.memory_space<semaphore_mem>>, %arg25: memref<!tpu.dma_semaphore, #tpu.memory_space<semaphore_mem>>, %arg26: memref<!tpu.dma_semaphore, #tpu.memory_space<semaphore_mem>>, %arg27: memref<!tpu.dma_semaphore, #tpu.memory_space<semaphore_mem>>, %arg28: memref<!tpu.dma_semaphore, #tpu.memory_space<semaphore_mem>>) attributes {dimension_semantics = [#tpu.dimension_semantics<core_parallel>, #tpu.dimension_semantics<subcore_parallel>], iteration_bounds = array<i64: 2, 16>, scalar_prefetch = 0 : i64, scratch_operands = 20 : i64, tpu.core_type = #tpu.core_type<sc_vector_subcore>, window_params = [{transform_indices = #map}, {transform_indices = #map}, {transform_indices = #map}, {transform_indices = #map}, {transform_indices = #map}, {transform_indices = #map1}, {transform_indices = #map1}]} {
    %mul3A = arith.constant 16 : i32
    %mul3A_0 = arith.muli %arg0, %mul3A : i32
    %add3A = arith.addi %mul3A_0, %arg1 : i32
    %mul3A_1 = arith.constant 10000 : i32
    %mul3A_2 = arith.muli %add3A, %mul3A_1 : i32
    %mul3A_3 = arith.constant 632 : i32
    %mul3A_4 = arith.muli %arg1, %mul3A_3 : i32
    "tpu.region"() ({
      %run_scoped3A_141 = tpu.sem_alloc : memref<!tpu.dma_semaphore, #tpu.memory_space<semaphore_mem>>
      tpu.enqueue_dma source(%arg5 : memref<128x128xf32, #tpu.memory_space<hbm>>) target(%arg15 : memref<128x128xf32, #tpu.memory_space<vmem>>) target_semaphore(%run_scoped3A_141 : memref<!tpu.dma_semaphore, #tpu.memory_space<semaphore_mem>>)
      tpu.wait_dma2 semaphore(%run_scoped3A_141 : memref<!tpu.dma_semaphore, #tpu.memory_space<semaphore_mem>>) src(%arg5 : memref<128x128xf32, #tpu.memory_space<hbm>>) dst(%arg15 : memref<128x128xf32, #tpu.memory_space<vmem>>)
      tpu.yield
    }) : () -> ()
    "tpu.region"() ({
      %run_scoped3A_141 = tpu.sem_alloc : memref<!tpu.dma_semaphore, #tpu.memory_space<semaphore_mem>>
      tpu.enqueue_dma source(%arg6 : memref<128x16xf32, #tpu.memory_space<hbm>>) target(%arg18 : memref<128x16xf32, #tpu.memory_space<vmem>>) target_semaphore(%run_scoped3A_141 : memref<!tpu.dma_semaphore, #tpu.memory_space<semaphore_mem>>)
      tpu.wait_dma2 semaphore(%run_scoped3A_141 : memref<!tpu.dma_semaphore, #tpu.memory_space<semaphore_mem>>) src(%arg6 : memref<128x16xf32, #tpu.memory_space<hbm>>) dst(%arg18 : memref<128x16xf32, #tpu.memory_space<vmem>>)
      tpu.yield
    }) : () -> ()
    %add3A_5 = arith.constant 0 : i32
    %add3A_6 = arith.addi %mul3A_4, %add3A_5 : i32
    "tpu.region"() ({
      %run_scoped3A_141 = tpu.sem_alloc : memref<!tpu.dma_semaphore, #tpu.memory_space<semaphore_mem>>
      %dma_start3A_142 = arith.constant 0 : i32
      %dma_start3A_143 = arith.constant 0 : i32
      %dma_start3A_144 = tpu.memref_slice %arg15[%dma_start3A_142, %dma_start3A_143] : memref<128x128xf32, #tpu.memory_space<vmem>> -> memref<128x128xf32, #tpu.memory_space<vmem>>
      %dma_start3A_145 = arith.constant 0 : i32
      %dma_start3A_146 = tpu.memref_slice %arg21[%add3A_6, %dma_start3A_145] : memref<10112x128xf32, #tpu.memory_space<vmem_shared>> -> memref<128x128xf32, #tpu.memory_space<vmem_shared>>
      %dma_start3A_147 = arith.constant 0 : i32
      %dma_start3A_148 = tpu.memref_slice %arg21[%add3A_6, %dma_start3A_147] : memref<10112x128xf32, #tpu.memory_space<vmem_shared>> -> memref<128x128xf32, #tpu.memory_space<vmem_shared>>
      %dma_start3A_149 = arith.constant 0 : i32
      %dma_start3A_150 = arith.constant 0 : i32
      %dma_start3A_151 = tpu.memref_slice %arg15[%dma_start3A_149, %dma_start3A_150] : memref<128x128xf32, #tpu.memory_space<vmem>> -> memref<128x128xf32, #tpu.memory_space<vmem>>
      tpu.enqueue_dma source(%dma_start3A_151 : memref<128x128xf32, #tpu.memory_space<vmem>>) target(%dma_start3A_148 : memref<128x128xf32, #tpu.memory_space<vmem_shared>>) target_semaphore(%run_scoped3A_141 : memref<!tpu.dma_semaphore, #tpu.memory_space<semaphore_mem>>)
      %dma_wait3A_152 = arith.constant 0 : i32
      %dma_wait3A_153 = arith.constant 0 : i32
      %dma_wait3A_154 = tpu.memref_slice %arg15[%dma_wait3A_152, %dma_wait3A_153] : memref<128x128xf32, #tpu.memory_space<vmem>> -> memref<128x128xf32, #tpu.memory_space<vmem>>
      %dma_wait3A_155 = arith.constant 0 : i32
      %dma_wait3A_156 = tpu.memref_slice %arg21[%add3A_6, %dma_wait3A_155] : memref<10112x128xf32, #tpu.memory_space<vmem_shared>> -> memref<128x128xf32, #tpu.memory_space<vmem_shared>>
      %dma_wait3A_157 = arith.constant 0 : i32
      %dma_wait3A_158 = tpu.memref_slice %arg21[%add3A_6, %dma_wait3A_157] : memref<10112x128xf32, #tpu.memory_space<vmem_shared>> -> memref<128x128xf32, #tpu.memory_space<vmem_shared>>
      %dma_wait3A_159 = arith.constant 0 : i32
      %dma_wait3A_160 = arith.constant 0 : i32
      %dma_wait3A_161 = tpu.memref_slice %arg15[%dma_wait3A_159, %dma_wait3A_160] : memref<128x128xf32, #tpu.memory_space<vmem>> -> memref<128x128xf32, #tpu.memory_space<vmem>>
      tpu.wait_dma2 semaphore(%run_scoped3A_141 : memref<!tpu.dma_semaphore, #tpu.memory_space<semaphore_mem>>) src(%dma_wait3A_161 : memref<128x128xf32, #tpu.memory_space<vmem>>) dst(%dma_wait3A_158 : memref<128x128xf32, #tpu.memory_space<vmem_shared>>)
      tpu.yield
    }) : () -> ()
    %add3A_7 = arith.constant 0 : i32
    %add3A_8 = arith.addi %mul3A_4, %add3A_7 : i32
    "tpu.region"() ({
      %run_scoped3A_141 = tpu.sem_alloc : memref<!tpu.dma_semaphore, #tpu.memory_space<semaphore_mem>>
      %dma_start3A_142 = arith.constant 0 : i32
      %dma_start3A_143 = arith.constant 0 : i32
      %dma_start3A_144 = tpu.memref_slice %arg18[%dma_start3A_142, %dma_start3A_143] : memref<128x16xf32, #tpu.memory_space<vmem>> -> memref<128x16xf32, #tpu.memory_space<vmem>>
      %dma_start3A_145 = arith.constant 0 : i32
      %dma_start3A_146 = tpu.memref_slice %arg22[%add3A_8, %dma_start3A_145] : memref<10112x16xf32, #tpu.memory_space<vmem_shared>> -> memref<128x16xf32, #tpu.memory_space<vmem_shared>>
      %dma_start3A_147 = arith.constant 0 : i32
      %dma_start3A_148 = tpu.memref_slice %arg22[%add3A_8, %dma_start3A_147] : memref<10112x16xf32, #tpu.memory_space<vmem_shared>> -> memref<128x16xf32, #tpu.memory_space<vmem_shared>>
      %dma_start3A_149 = arith.constant 0 : i32
      %dma_start3A_150 = arith.constant 0 : i32
      %dma_start3A_151 = tpu.memref_slice %arg18[%dma_start3A_149, %dma_start3A_150] : memref<128x16xf32, #tpu.memory_space<vmem>> -> memref<128x16xf32, #tpu.memory_space<vmem>>
      tpu.enqueue_dma source(%dma_start3A_151 : memref<128x16xf32, #tpu.memory_space<vmem>>) target(%dma_start3A_148 : memref<128x16xf32, #tpu.memory_space<vmem_shared>>) target_semaphore(%run_scoped3A_141 : memref<!tpu.dma_semaphore, #tpu.memory_space<semaphore_mem>>)
      %dma_wait3A_152 = arith.constant 0 : i32
      %dma_wait3A_153 = arith.constant 0 : i32
      %dma_wait3A_154 = tpu.memref_slice %arg18[%dma_wait3A_152, %dma_wait3A_153] : memref<128x16xf32, #tpu.memory_space<vmem>> -> memref<128x16xf32, #tpu.memory_space<vmem>>
      %dma_wait3A_155 = arith.constant 0 : i32
      %dma_wait3A_156 = tpu.memref_slice %arg22[%add3A_8, %dma_wait3A_155] : memref<10112x16xf32, #tpu.memory_space<vmem_shared>> -> memref<128x16xf32, #tpu.memory_space<vmem_shared>>
      %dma_wait3A_157 = arith.constant 0 : i32
      %dma_wait3A_158 = tpu.memref_slice %arg22[%add3A_8, %dma_wait3A_157] : memref<10112x16xf32, #tpu.memory_space<vmem_shared>> -> memref<128x16xf32, #tpu.memory_space<vmem_shared>>
      %dma_wait3A_159 = arith.constant 0 : i32
      %dma_wait3A_160 = arith.constant 0 : i32
      %dma_wait3A_161 = tpu.memref_slice %arg18[%dma_wait3A_159, %dma_wait3A_160] : memref<128x16xf32, #tpu.memory_space<vmem>> -> memref<128x16xf32, #tpu.memory_space<vmem>>
      tpu.wait_dma2 semaphore(%run_scoped3A_141 : memref<!tpu.dma_semaphore, #tpu.memory_space<semaphore_mem>>) src(%dma_wait3A_161 : memref<128x16xf32, #tpu.memory_space<vmem>>) dst(%dma_wait3A_158 : memref<128x16xf32, #tpu.memory_space<vmem_shared>>)
      tpu.yield
    }) : () -> ()
    %add3A_9 = arith.constant 128 : i32
    %add3A_10 = arith.addi %mul3A_4, %add3A_9 : i32
    "tpu.region"() ({
      %run_scoped3A_141 = tpu.sem_alloc : memref<!tpu.dma_semaphore, #tpu.memory_space<semaphore_mem>>
      %dma_start3A_142 = arith.constant 0 : i32
      %dma_start3A_143 = arith.constant 0 : i32
      %dma_start3A_144 = tpu.memref_slice %arg15[%dma_start3A_142, %dma_start3A_143] : memref<128x128xf32, #tpu.memory_space<vmem>> -> memref<128x128xf32, #tpu.memory_space<vmem>>
      %dma_start3A_145 = arith.constant 0 : i32
      %dma_start3A_146 = tpu.memref_slice %arg21[%add3A_10, %dma_start3A_145] : memref<10112x128xf32, #tpu.memory_space<vmem_shared>> -> memref<128x128xf32, #tpu.memory_space<vmem_shared>>
      %dma_start3A_147 = arith.constant 0 : i32
      %dma_start3A_148 = tpu.memref_slice %arg21[%add3A_10, %dma_start3A_147] : memref<10112x128xf32, #tpu.memory_space<vmem_shared>> -> memref<128x128xf32, #tpu.memory_space<vmem_shared>>
      %dma_start3A_149 = arith.constant 0 : i32
      %dma_start3A_150 = arith.constant 0 : i32
      %dma_start3A_151 = tpu.memref_slice %arg15[%dma_start3A_149, %dma_start3A_150] : memref<128x128xf32, #tpu.memory_space<vmem>> -> memref<128x128xf32, #tpu.memory_space<vmem>>
      tpu.enqueue_dma source(%dma_start3A_151 : memref<128x128xf32, #tpu.memory_space<vmem>>) target(%dma_start3A_148 : memref<128x128xf32, #tpu.memory_space<vmem_shared>>) target_semaphore(%run_scoped3A_141 : memref<!tpu.dma_semaphore, #tpu.memory_space<semaphore_mem>>)
      %dma_wait3A_152 = arith.constant 0 : i32
      %dma_wait3A_153 = arith.constant 0 : i32
      %dma_wait3A_154 = tpu.memref_slice %arg15[%dma_wait3A_152, %dma_wait3A_153] : memref<128x128xf32, #tpu.memory_space<vmem>> -> memref<128x128xf32, #tpu.memory_space<vmem>>
      %dma_wait3A_155 = arith.constant 0 : i32
      %dma_wait3A_156 = tpu.memref_slice %arg21[%add3A_10, %dma_wait3A_155] : memref<10112x128xf32, #tpu.memory_space<vmem_shared>> -> memref<128x128xf32, #tpu.memory_space<vmem_shared>>
      %dma_wait3A_157 = arith.constant 0 : i32
      %dma_wait3A_158 = tpu.memref_slice %arg21[%add3A_10, %dma_wait3A_157] : memref<10112x128xf32, #tpu.memory_space<vmem_shared>> -> memref<128x128xf32, #tpu.memory_space<vmem_shared>>
      %dma_wait3A_159 = arith.constant 0 : i32
      %dma_wait3A_160 = arith.constant 0 : i32
      %dma_wait3A_161 = tpu.memref_slice %arg15[%dma_wait3A_159, %dma_wait3A_160] : memref<128x128xf32, #tpu.memory_space<vmem>> -> memref<128x128xf32, #tpu.memory_space<vmem>>
      tpu.wait_dma2 semaphore(%run_scoped3A_141 : memref<!tpu.dma_semaphore, #tpu.memory_space<semaphore_mem>>) src(%dma_wait3A_161 : memref<128x128xf32, #tpu.memory_space<vmem>>) dst(%dma_wait3A_158 : memref<128x128xf32, #tpu.memory_space<vmem_shared>>)
      tpu.yield
    }) : () -> ()
    %add3A_11 = arith.constant 128 : i32
    %add3A_12 = arith.addi %mul3A_4, %add3A_11 : i32
    "tpu.region"() ({
      %run_scoped3A_141 = tpu.sem_alloc : memref<!tpu.dma_semaphore, #tpu.memory_space<semaphore_mem>>
      %dma_start3A_142 = arith.constant 0 : i32
      %dma_start3A_143 = arith.constant 0 : i32
      %dma_start3A_144 = tpu.memref_slice %arg18[%dma_start3A_142, %dma_start3A_143] : memref<128x16xf32, #tpu.memory_space<vmem>> -> memref<128x16xf32, #tpu.memory_space<vmem>>
      %dma_start3A_145 = arith.constant 0 : i32
      %dma_start3A_146 = tpu.memref_slice %arg22[%add3A_12, %dma_start3A_145] : memref<10112x16xf32, #tpu.memory_space<vmem_shared>> -> memref<128x16xf32, #tpu.memory_space<vmem_shared>>
      %dma_start3A_147 = arith.constant 0 : i32
      %dma_start3A_148 = tpu.memref_slice %arg22[%add3A_12, %dma_start3A_147] : memref<10112x16xf32, #tpu.memory_space<vmem_shared>> -> memref<128x16xf32, #tpu.memory_space<vmem_shared>>
      %dma_start3A_149 = arith.constant 0 : i32
      %dma_start3A_150 = arith.constant 0 : i32
      %dma_start3A_151 = tpu.memref_slice %arg18[%dma_start3A_149, %dma_start3A_150] : memref<128x16xf32, #tpu.memory_space<vmem>> -> memref<128x16xf32, #tpu.memory_space<vmem>>
      tpu.enqueue_dma source(%dma_start3A_151 : memref<128x16xf32, #tpu.memory_space<vmem>>) target(%dma_start3A_148 : memref<128x16xf32, #tpu.memory_space<vmem_shared>>) target_semaphore(%run_scoped3A_141 : memref<!tpu.dma_semaphore, #tpu.memory_space<semaphore_mem>>)
      %dma_wait3A_152 = arith.constant 0 : i32
      %dma_wait3A_153 = arith.constant 0 : i32
      %dma_wait3A_154 = tpu.memref_slice %arg18[%dma_wait3A_152, %dma_wait3A_153] : memref<128x16xf32, #tpu.memory_space<vmem>> -> memref<128x16xf32, #tpu.memory_space<vmem>>
      %dma_wait3A_155 = arith.constant 0 : i32
      %dma_wait3A_156 = tpu.memref_slice %arg22[%add3A_12, %dma_wait3A_155] : memref<10112x16xf32, #tpu.memory_space<vmem_shared>> -> memref<128x16xf32, #tpu.memory_space<vmem_shared>>
      %dma_wait3A_157 = arith.constant 0 : i32
      %dma_wait3A_158 = tpu.memref_slice %arg22[%add3A_12, %dma_wait3A_157] : memref<10112x16xf32, #tpu.memory_space<vmem_shared>> -> memref<128x16xf32, #tpu.memory_space<vmem_shared>>
      %dma_wait3A_159 = arith.constant 0 : i32
      %dma_wait3A_160 = arith.constant 0 : i32
      %dma_wait3A_161 = tpu.memref_slice %arg18[%dma_wait3A_159, %dma_wait3A_160] : memref<128x16xf32, #tpu.memory_space<vmem>> -> memref<128x16xf32, #tpu.memory_space<vmem>>
      tpu.wait_dma2 semaphore(%run_scoped3A_141 : memref<!tpu.dma_semaphore, #tpu.memory_space<semaphore_mem>>) src(%dma_wait3A_161 : memref<128x16xf32, #tpu.memory_space<vmem>>) dst(%dma_wait3A_158 : memref<128x16xf32, #tpu.memory_space<vmem_shared>>)
      tpu.yield
    }) : () -> ()
    %add3A_13 = arith.constant 256 : i32
    %add3A_14 = arith.addi %mul3A_4, %add3A_13 : i32
    "tpu.region"() ({
      %run_scoped3A_141 = tpu.sem_alloc : memref<!tpu.dma_semaphore, #tpu.memory_space<semaphore_mem>>
      %dma_start3A_142 = arith.constant 0 : i32
      %dma_start3A_143 = arith.constant 0 : i32
      %dma_start3A_144 = tpu.memref_slice %arg15[%dma_start3A_142, %dma_start3A_143] : memref<128x128xf32, #tpu.memory_space<vmem>> -> memref<128x128xf32, #tpu.memory_space<vmem>>
      %dma_start3A_145 = arith.constant 0 : i32
      %dma_start3A_146 = tpu.memref_slice %arg21[%add3A_14, %dma_start3A_145] : memref<10112x128xf32, #tpu.memory_space<vmem_shared>> -> memref<128x128xf32, #tpu.memory_space<vmem_shared>>
      %dma_start3A_147 = arith.constant 0 : i32
      %dma_start3A_148 = tpu.memref_slice %arg21[%add3A_14, %dma_start3A_147] : memref<10112x128xf32, #tpu.memory_space<vmem_shared>> -> memref<128x128xf32, #tpu.memory_space<vmem_shared>>
      %dma_start3A_149 = arith.constant 0 : i32
      %dma_start3A_150 = arith.constant 0 : i32
      %dma_start3A_151 = tpu.memref_slice %arg15[%dma_start3A_149, %dma_start3A_150] : memref<128x128xf32, #tpu.memory_space<vmem>> -> memref<128x128xf32, #tpu.memory_space<vmem>>
      tpu.enqueue_dma source(%dma_start3A_151 : memref<128x128xf32, #tpu.memory_space<vmem>>) target(%dma_start3A_148 : memref<128x128xf32, #tpu.memory_space<vmem_shared>>) target_semaphore(%run_scoped3A_141 : memref<!tpu.dma_semaphore, #tpu.memory_space<semaphore_mem>>)
      %dma_wait3A_152 = arith.constant 0 : i32
      %dma_wait3A_153 = arith.constant 0 : i32
      %dma_wait3A_154 = tpu.memref_slice %arg15[%dma_wait3A_152, %dma_wait3A_153] : memref<128x128xf32, #tpu.memory_space<vmem>> -> memref<128x128xf32, #tpu.memory_space<vmem>>
      %dma_wait3A_155 = arith.constant 0 : i32
      %dma_wait3A_156 = tpu.memref_slice %arg21[%add3A_14, %dma_wait3A_155] : memref<10112x128xf32, #tpu.memory_space<vmem_shared>> -> memref<128x128xf32, #tpu.memory_space<vmem_shared>>
      %dma_wait3A_157 = arith.constant 0 : i32
      %dma_wait3A_158 = tpu.memref_slice %arg21[%add3A_14, %dma_wait3A_157] : memref<10112x128xf32, #tpu.memory_space<vmem_shared>> -> memref<128x128xf32, #tpu.memory_space<vmem_shared>>
      %dma_wait3A_159 = arith.constant 0 : i32
      %dma_wait3A_160 = arith.constant 0 : i32
      %dma_wait3A_161 = tpu.memref_slice %arg15[%dma_wait3A_159, %dma_wait3A_160] : memref<128x128xf32, #tpu.memory_space<vmem>> -> memref<128x128xf32, #tpu.memory_space<vmem>>
      tpu.wait_dma2 semaphore(%run_scoped3A_141 : memref<!tpu.dma_semaphore, #tpu.memory_space<semaphore_mem>>) src(%dma_wait3A_161 : memref<128x128xf32, #tpu.memory_space<vmem>>) dst(%dma_wait3A_158 : memref<128x128xf32, #tpu.memory_space<vmem_shared>>)
      tpu.yield
    }) : () -> ()
    %add3A_15 = arith.constant 256 : i32
    %add3A_16 = arith.addi %mul3A_4, %add3A_15 : i32
    "tpu.region"() ({
      %run_scoped3A_141 = tpu.sem_alloc : memref<!tpu.dma_semaphore, #tpu.memory_space<semaphore_mem>>
      %dma_start3A_142 = arith.constant 0 : i32
      %dma_start3A_143 = arith.constant 0 : i32
      %dma_start3A_144 = tpu.memref_slice %arg18[%dma_start3A_142, %dma_start3A_143] : memref<128x16xf32, #tpu.memory_space<vmem>> -> memref<128x16xf32, #tpu.memory_space<vmem>>
      %dma_start3A_145 = arith.constant 0 : i32
      %dma_start3A_146 = tpu.memref_slice %arg22[%add3A_16, %dma_start3A_145] : memref<10112x16xf32, #tpu.memory_space<vmem_shared>> -> memref<128x16xf32, #tpu.memory_space<vmem_shared>>
      %dma_start3A_147 = arith.constant 0 : i32
      %dma_start3A_148 = tpu.memref_slice %arg22[%add3A_16, %dma_start3A_147] : memref<10112x16xf32, #tpu.memory_space<vmem_shared>> -> memref<128x16xf32, #tpu.memory_space<vmem_shared>>
      %dma_start3A_149 = arith.constant 0 : i32
      %dma_start3A_150 = arith.constant 0 : i32
      %dma_start3A_151 = tpu.memref_slice %arg18[%dma_start3A_149, %dma_start3A_150] : memref<128x16xf32, #tpu.memory_space<vmem>> -> memref<128x16xf32, #tpu.memory_space<vmem>>
      tpu.enqueue_dma source(%dma_start3A_151 : memref<128x16xf32, #tpu.memory_space<vmem>>) target(%dma_start3A_148 : memref<128x16xf32, #tpu.memory_space<vmem_shared>>) target_semaphore(%run_scoped3A_141 : memref<!tpu.dma_semaphore, #tpu.memory_space<semaphore_mem>>)
      %dma_wait3A_152 = arith.constant 0 : i32
      %dma_wait3A_153 = arith.constant 0 : i32
      %dma_wait3A_154 = tpu.memref_slice %arg18[%dma_wait3A_152, %dma_wait3A_153] : memref<128x16xf32, #tpu.memory_space<vmem>> -> memref<128x16xf32, #tpu.memory_space<vmem>>
      %dma_wait3A_155 = arith.constant 0 : i32
      %dma_wait3A_156 = tpu.memref_slice %arg22[%add3A_16, %dma_wait3A_155] : memref<10112x16xf32, #tpu.memory_space<vmem_shared>> -> memref<128x16xf32, #tpu.memory_space<vmem_shared>>
      %dma_wait3A_157 = arith.constant 0 : i32
      %dma_wait3A_158 = tpu.memref_slice %arg22[%add3A_16, %dma_wait3A_157] : memref<10112x16xf32, #tpu.memory_space<vmem_shared>> -> memref<128x16xf32, #tpu.memory_space<vmem_shared>>
      %dma_wait3A_159 = arith.constant 0 : i32
      %dma_wait3A_160 = arith.constant 0 : i32
      %dma_wait3A_161 = tpu.memref_slice %arg18[%dma_wait3A_159, %dma_wait3A_160] : memref<128x16xf32, #tpu.memory_space<vmem>> -> memref<128x16xf32, #tpu.memory_space<vmem>>
      tpu.wait_dma2 semaphore(%run_scoped3A_141 : memref<!tpu.dma_semaphore, #tpu.memory_space<semaphore_mem>>) src(%dma_wait3A_161 : memref<128x16xf32, #tpu.memory_space<vmem>>) dst(%dma_wait3A_158 : memref<128x16xf32, #tpu.memory_space<vmem_shared>>)
      tpu.yield
    }) : () -> ()
    %add3A_17 = arith.constant 384 : i32
    %add3A_18 = arith.addi %mul3A_4, %add3A_17 : i32
    "tpu.region"() ({
      %run_scoped3A_141 = tpu.sem_alloc : memref<!tpu.dma_semaphore, #tpu.memory_space<semaphore_mem>>
      %dma_start3A_142 = arith.constant 0 : i32
      %dma_start3A_143 = arith.constant 0 : i32
      %dma_start3A_144 = tpu.memref_slice %arg15[%dma_start3A_142, %dma_start3A_143] : memref<128x128xf32, #tpu.memory_space<vmem>> -> memref<128x128xf32, #tpu.memory_space<vmem>>
      %dma_start3A_145 = arith.constant 0 : i32
      %dma_start3A_146 = tpu.memref_slice %arg21[%add3A_18, %dma_start3A_145] : memref<10112x128xf32, #tpu.memory_space<vmem_shared>> -> memref<128x128xf32, #tpu.memory_space<vmem_shared>>
      %dma_start3A_147 = arith.constant 0 : i32
      %dma_start3A_148 = tpu.memref_slice %arg21[%add3A_18, %dma_start3A_147] : memref<10112x128xf32, #tpu.memory_space<vmem_shared>> -> memref<128x128xf32, #tpu.memory_space<vmem_shared>>
      %dma_start3A_149 = arith.constant 0 : i32
      %dma_start3A_150 = arith.constant 0 : i32
      %dma_start3A_151 = tpu.memref_slice %arg15[%dma_start3A_149, %dma_start3A_150] : memref<128x128xf32, #tpu.memory_space<vmem>> -> memref<128x128xf32, #tpu.memory_space<vmem>>
      tpu.enqueue_dma source(%dma_start3A_151 : memref<128x128xf32, #tpu.memory_space<vmem>>) target(%dma_start3A_148 : memref<128x128xf32, #tpu.memory_space<vmem_shared>>) target_semaphore(%run_scoped3A_141 : memref<!tpu.dma_semaphore, #tpu.memory_space<semaphore_mem>>)
      %dma_wait3A_152 = arith.constant 0 : i32
      %dma_wait3A_153 = arith.constant 0 : i32
      %dma_wait3A_154 = tpu.memref_slice %arg15[%dma_wait3A_152, %dma_wait3A_153] : memref<128x128xf32, #tpu.memory_space<vmem>> -> memref<128x128xf32, #tpu.memory_space<vmem>>
      %dma_wait3A_155 = arith.constant 0 : i32
      %dma_wait3A_156 = tpu.memref_slice %arg21[%add3A_18, %dma_wait3A_155] : memref<10112x128xf32, #tpu.memory_space<vmem_shared>> -> memref<128x128xf32, #tpu.memory_space<vmem_shared>>
      %dma_wait3A_157 = arith.constant 0 : i32
      %dma_wait3A_158 = tpu.memref_slice %arg21[%add3A_18, %dma_wait3A_157] : memref<10112x128xf32, #tpu.memory_space<vmem_shared>> -> memref<128x128xf32, #tpu.memory_space<vmem_shared>>
      %dma_wait3A_159 = arith.constant 0 : i32
      %dma_wait3A_160 = arith.constant 0 : i32
      %dma_wait3A_161 = tpu.memref_slice %arg15[%dma_wait3A_159, %dma_wait3A_160] : memref<128x128xf32, #tpu.memory_space<vmem>> -> memref<128x128xf32, #tpu.memory_space<vmem>>
      tpu.wait_dma2 semaphore(%run_scoped3A_141 : memref<!tpu.dma_semaphore, #tpu.memory_space<semaphore_mem>>) src(%dma_wait3A_161 : memref<128x128xf32, #tpu.memory_space<vmem>>) dst(%dma_wait3A_158 : memref<128x128xf32, #tpu.memory_space<vmem_shared>>)
      tpu.yield
    }) : () -> ()
    %add3A_19 = arith.constant 384 : i32
    %add3A_20 = arith.addi %mul3A_4, %add3A_19 : i32
    "tpu.region"() ({
      %run_scoped3A_141 = tpu.sem_alloc : memref<!tpu.dma_semaphore, #tpu.memory_space<semaphore_mem>>
      %dma_start3A_142 = arith.constant 0 : i32
      %dma_start3A_143 = arith.constant 0 : i32
      %dma_start3A_144 = tpu.memref_slice %arg18[%dma_start3A_142, %dma_start3A_143] : memref<128x16xf32, #tpu.memory_space<vmem>> -> memref<128x16xf32, #tpu.memory_space<vmem>>
      %dma_start3A_145 = arith.constant 0 : i32
      %dma_start3A_146 = tpu.memref_slice %arg22[%add3A_20, %dma_start3A_145] : memref<10112x16xf32, #tpu.memory_space<vmem_shared>> -> memref<128x16xf32, #tpu.memory_space<vmem_shared>>
      %dma_start3A_147 = arith.constant 0 : i32
      %dma_start3A_148 = tpu.memref_slice %arg22[%add3A_20, %dma_start3A_147] : memref<10112x16xf32, #tpu.memory_space<vmem_shared>> -> memref<128x16xf32, #tpu.memory_space<vmem_shared>>
      %dma_start3A_149 = arith.constant 0 : i32
      %dma_start3A_150 = arith.constant 0 : i32
      %dma_start3A_151 = tpu.memref_slice %arg18[%dma_start3A_149, %dma_start3A_150] : memref<128x16xf32, #tpu.memory_space<vmem>> -> memref<128x16xf32, #tpu.memory_space<vmem>>
      tpu.enqueue_dma source(%dma_start3A_151 : memref<128x16xf32, #tpu.memory_space<vmem>>) target(%dma_start3A_148 : memref<128x16xf32, #tpu.memory_space<vmem_shared>>) target_semaphore(%run_scoped3A_141 : memref<!tpu.dma_semaphore, #tpu.memory_space<semaphore_mem>>)
      %dma_wait3A_152 = arith.constant 0 : i32
      %dma_wait3A_153 = arith.constant 0 : i32
      %dma_wait3A_154 = tpu.memref_slice %arg18[%dma_wait3A_152, %dma_wait3A_153] : memref<128x16xf32, #tpu.memory_space<vmem>> -> memref<128x16xf32, #tpu.memory_space<vmem>>
      %dma_wait3A_155 = arith.constant 0 : i32
      %dma_wait3A_156 = tpu.memref_slice %arg22[%add3A_20, %dma_wait3A_155] : memref<10112x16xf32, #tpu.memory_space<vmem_shared>> -> memref<128x16xf32, #tpu.memory_space<vmem_shared>>
      %dma_wait3A_157 = arith.constant 0 : i32
      %dma_wait3A_158 = tpu.memref_slice %arg22[%add3A_20, %dma_wait3A_157] : memref<10112x16xf32, #tpu.memory_space<vmem_shared>> -> memref<128x16xf32, #tpu.memory_space<vmem_shared>>
      %dma_wait3A_159 = arith.constant 0 : i32
      %dma_wait3A_160 = arith.constant 0 : i32
      %dma_wait3A_161 = tpu.memref_slice %arg18[%dma_wait3A_159, %dma_wait3A_160] : memref<128x16xf32, #tpu.memory_space<vmem>> -> memref<128x16xf32, #tpu.memory_space<vmem>>
      tpu.wait_dma2 semaphore(%run_scoped3A_141 : memref<!tpu.dma_semaphore, #tpu.memory_space<semaphore_mem>>) src(%dma_wait3A_161 : memref<128x16xf32, #tpu.memory_space<vmem>>) dst(%dma_wait3A_158 : memref<128x16xf32, #tpu.memory_space<vmem_shared>>)
      tpu.yield
    }) : () -> ()
    %add3A_21 = arith.constant 512 : i32
    %add3A_22 = arith.addi %mul3A_4, %add3A_21 : i32
    "tpu.region"() ({
      %run_scoped3A_141 = tpu.sem_alloc : memref<!tpu.dma_semaphore, #tpu.memory_space<semaphore_mem>>
      %dma_start3A_142 = arith.constant 0 : i32
      %dma_start3A_143 = arith.constant 0 : i32
      %dma_start3A_144 = tpu.memref_slice %arg15[%dma_start3A_142, %dma_start3A_143] : memref<128x128xf32, #tpu.memory_space<vmem>> -> memref<120x128xf32, #tpu.memory_space<vmem>>
      %dma_start3A_145 = arith.constant 0 : i32
      %dma_start3A_146 = tpu.memref_slice %arg21[%add3A_22, %dma_start3A_145] : memref<10112x128xf32, #tpu.memory_space<vmem_shared>> -> memref<120x128xf32, #tpu.memory_space<vmem_shared>>
      %dma_start3A_147 = arith.constant 0 : i32
      %dma_start3A_148 = tpu.memref_slice %arg21[%add3A_22, %dma_start3A_147] : memref<10112x128xf32, #tpu.memory_space<vmem_shared>> -> memref<120x128xf32, #tpu.memory_space<vmem_shared>>
      %dma_start3A_149 = arith.constant 0 : i32
      %dma_start3A_150 = arith.constant 0 : i32
      %dma_start3A_151 = tpu.memref_slice %arg15[%dma_start3A_149, %dma_start3A_150] : memref<128x128xf32, #tpu.memory_space<vmem>> -> memref<120x128xf32, #tpu.memory_space<vmem>>
      tpu.enqueue_dma source(%dma_start3A_151 : memref<120x128xf32, #tpu.memory_space<vmem>>) target(%dma_start3A_148 : memref<120x128xf32, #tpu.memory_space<vmem_shared>>) target_semaphore(%run_scoped3A_141 : memref<!tpu.dma_semaphore, #tpu.memory_space<semaphore_mem>>)
      %dma_wait3A_152 = arith.constant 0 : i32
      %dma_wait3A_153 = arith.constant 0 : i32
      %dma_wait3A_154 = tpu.memref_slice %arg15[%dma_wait3A_152, %dma_wait3A_153] : memref<128x128xf32, #tpu.memory_space<vmem>> -> memref<120x128xf32, #tpu.memory_space<vmem>>
      %dma_wait3A_155 = arith.constant 0 : i32
      %dma_wait3A_156 = tpu.memref_slice %arg21[%add3A_22, %dma_wait3A_155] : memref<10112x128xf32, #tpu.memory_space<vmem_shared>> -> memref<120x128xf32, #tpu.memory_space<vmem_shared>>
      %dma_wait3A_157 = arith.constant 0 : i32
      %dma_wait3A_158 = tpu.memref_slice %arg21[%add3A_22, %dma_wait3A_157] : memref<10112x128xf32, #tpu.memory_space<vmem_shared>> -> memref<120x128xf32, #tpu.memory_space<vmem_shared>>
      %dma_wait3A_159 = arith.constant 0 : i32
      %dma_wait3A_160 = arith.constant 0 : i32
      %dma_wait3A_161 = tpu.memref_slice %arg15[%dma_wait3A_159, %dma_wait3A_160] : memref<128x128xf32, #tpu.memory_space<vmem>> -> memref<120x128xf32, #tpu.memory_space<vmem>>
      tpu.wait_dma2 semaphore(%run_scoped3A_141 : memref<!tpu.dma_semaphore, #tpu.memory_space<semaphore_mem>>) src(%dma_wait3A_161 : memref<120x128xf32, #tpu.memory_space<vmem>>) dst(%dma_wait3A_158 : memref<120x128xf32, #tpu.memory_space<vmem_shared>>)
      tpu.yield
    }) : () -> ()
    %add3A_23 = arith.constant 512 : i32
    %add3A_24 = arith.addi %mul3A_4, %add3A_23 : i32
    "tpu.region"() ({
      %run_scoped3A_141 = tpu.sem_alloc : memref<!tpu.dma_semaphore, #tpu.memory_space<semaphore_mem>>
      %dma_start3A_142 = arith.constant 0 : i32
      %dma_start3A_143 = arith.constant 0 : i32
      %dma_start3A_144 = tpu.memref_slice %arg18[%dma_start3A_142, %dma_start3A_143] : memref<128x16xf32, #tpu.memory_space<vmem>> -> memref<120x16xf32, #tpu.memory_space<vmem>>
      %dma_start3A_145 = arith.constant 0 : i32
      %dma_start3A_146 = tpu.memref_slice %arg22[%add3A_24, %dma_start3A_145] : memref<10112x16xf32, #tpu.memory_space<vmem_shared>> -> memref<120x16xf32, #tpu.memory_space<vmem_shared>>
      %dma_start3A_147 = arith.constant 0 : i32
      %dma_start3A_148 = tpu.memref_slice %arg22[%add3A_24, %dma_start3A_147] : memref<10112x16xf32, #tpu.memory_space<vmem_shared>> -> memref<120x16xf32, #tpu.memory_space<vmem_shared>>
      %dma_start3A_149 = arith.constant 0 : i32
      %dma_start3A_150 = arith.constant 0 : i32
      %dma_start3A_151 = tpu.memref_slice %arg18[%dma_start3A_149, %dma_start3A_150] : memref<128x16xf32, #tpu.memory_space<vmem>> -> memref<120x16xf32, #tpu.memory_space<vmem>>
      tpu.enqueue_dma source(%dma_start3A_151 : memref<120x16xf32, #tpu.memory_space<vmem>>) target(%dma_start3A_148 : memref<120x16xf32, #tpu.memory_space<vmem_shared>>) target_semaphore(%run_scoped3A_141 : memref<!tpu.dma_semaphore, #tpu.memory_space<semaphore_mem>>)
      %dma_wait3A_152 = arith.constant 0 : i32
      %dma_wait3A_153 = arith.constant 0 : i32
      %dma_wait3A_154 = tpu.memref_slice %arg18[%dma_wait3A_152, %dma_wait3A_153] : memref<128x16xf32, #tpu.memory_space<vmem>> -> memref<120x16xf32, #tpu.memory_space<vmem>>
      %dma_wait3A_155 = arith.constant 0 : i32
      %dma_wait3A_156 = tpu.memref_slice %arg22[%add3A_24, %dma_wait3A_155] : memref<10112x16xf32, #tpu.memory_space<vmem_shared>> -> memref<120x16xf32, #tpu.memory_space<vmem_shared>>
      %dma_wait3A_157 = arith.constant 0 : i32
      %dma_wait3A_158 = tpu.memref_slice %arg22[%add3A_24, %dma_wait3A_157] : memref<10112x16xf32, #tpu.memory_space<vmem_shared>> -> memref<120x16xf32, #tpu.memory_space<vmem_shared>>
      %dma_wait3A_159 = arith.constant 0 : i32
      %dma_wait3A_160 = arith.constant 0 : i32
      %dma_wait3A_161 = tpu.memref_slice %arg18[%dma_wait3A_159, %dma_wait3A_160] : memref<128x16xf32, #tpu.memory_space<vmem>> -> memref<120x16xf32, #tpu.memory_space<vmem>>
      tpu.wait_dma2 semaphore(%run_scoped3A_141 : memref<!tpu.dma_semaphore, #tpu.memory_space<semaphore_mem>>) src(%dma_wait3A_161 : memref<120x16xf32, #tpu.memory_space<vmem>>) dst(%dma_wait3A_158 : memref<120x16xf32, #tpu.memory_space<vmem_shared>>)
      tpu.yield
    }) : () -> ()
    %barrier3A = arith.constant 0 : index
    tpu.barrier barrier_id(%barrier3A)
    %add3A_25 = arith.constant 0 : i32
    %add3A_26 = arith.addi %mul3A_2, %add3A_25 : i32
    %dma_start3A = arith.constant 0 : i32
    %dma_start3A_27 = tpu.memref_slice %arg3[%dma_start3A, %add3A_26] : memref<2x320000xi32, #tpu.memory_space<hbm>> -> memref<1x128xi32, #tpu.memory_space<hbm>>
    %dma_start3A_28 = tpu.memref_squeeze %dma_start3A_27 : memref<1x128xi32, #tpu.memory_space<hbm>> -> memref<128xi32, #tpu.memory_space<hbm>>
    %dma_start3A_29 = tpu.memref_slice %arg3[%dma_start3A, %add3A_26] : memref<2x320000xi32, #tpu.memory_space<hbm>> -> memref<1x128xi32, #tpu.memory_space<hbm>>
    %dma_start3A_30 = tpu.memref_squeeze %dma_start3A_29 : memref<1x128xi32, #tpu.memory_space<hbm>> -> memref<128xi32, #tpu.memory_space<hbm>>
    tpu.enqueue_dma source(%dma_start3A_30 : memref<128xi32, #tpu.memory_space<hbm>>) target(%arg9 : memref<128xi32, #tpu.memory_space<vmem>>) target_semaphore(%arg23 : memref<!tpu.dma_semaphore, #tpu.memory_space<semaphore_mem>>)
    %add3A_31 = arith.constant 0 : i32
    %add3A_32 = arith.addi %mul3A_2, %add3A_31 : i32
    %dma_start3A_33 = arith.constant 1 : i32
    %dma_start3A_34 = tpu.memref_slice %arg3[%dma_start3A_33, %add3A_32] : memref<2x320000xi32, #tpu.memory_space<hbm>> -> memref<1x128xi32, #tpu.memory_space<hbm>>
    %dma_start3A_35 = tpu.memref_squeeze %dma_start3A_34 : memref<1x128xi32, #tpu.memory_space<hbm>> -> memref<128xi32, #tpu.memory_space<hbm>>
    %dma_start3A_36 = tpu.memref_slice %arg3[%dma_start3A_33, %add3A_32] : memref<2x320000xi32, #tpu.memory_space<hbm>> -> memref<1x128xi32, #tpu.memory_space<hbm>>
    %dma_start3A_37 = tpu.memref_squeeze %dma_start3A_36 : memref<1x128xi32, #tpu.memory_space<hbm>> -> memref<128xi32, #tpu.memory_space<hbm>>
    tpu.enqueue_dma source(%dma_start3A_37 : memref<128xi32, #tpu.memory_space<hbm>>) target(%arg11 : memref<128xi32, #tpu.memory_space<vmem>>) target_semaphore(%arg23 : memref<!tpu.dma_semaphore, #tpu.memory_space<semaphore_mem>>)
    %add3A_38 = arith.constant 128 : i32
    %add3A_39 = arith.addi %mul3A_2, %add3A_38 : i32
    %dma_start3A_40 = arith.constant 0 : i32
    %dma_start3A_41 = tpu.memref_slice %arg3[%dma_start3A_40, %add3A_39] : memref<2x320000xi32, #tpu.memory_space<hbm>> -> memref<1x128xi32, #tpu.memory_space<hbm>>
    %dma_start3A_42 = tpu.memref_squeeze %dma_start3A_41 : memref<1x128xi32, #tpu.memory_space<hbm>> -> memref<128xi32, #tpu.memory_space<hbm>>
    %dma_start3A_43 = tpu.memref_slice %arg3[%dma_start3A_40, %add3A_39] : memref<2x320000xi32, #tpu.memory_space<hbm>> -> memref<1x128xi32, #tpu.memory_space<hbm>>
    %dma_start3A_44 = tpu.memref_squeeze %dma_start3A_43 : memref<1x128xi32, #tpu.memory_space<hbm>> -> memref<128xi32, #tpu.memory_space<hbm>>
    tpu.enqueue_dma source(%dma_start3A_44 : memref<128xi32, #tpu.memory_space<hbm>>) target(%arg10 : memref<128xi32, #tpu.memory_space<vmem>>) target_semaphore(%arg24 : memref<!tpu.dma_semaphore, #tpu.memory_space<semaphore_mem>>)
    %add3A_45 = arith.constant 128 : i32
    %add3A_46 = arith.addi %mul3A_2, %add3A_45 : i32
    %dma_start3A_47 = arith.constant 1 : i32
    %dma_start3A_48 = tpu.memref_slice %arg3[%dma_start3A_47, %add3A_46] : memref<2x320000xi32, #tpu.memory_space<hbm>> -> memref<1x128xi32, #tpu.memory_space<hbm>>
    %dma_start3A_49 = tpu.memref_squeeze %dma_start3A_48 : memref<1x128xi32, #tpu.memory_space<hbm>> -> memref<128xi32, #tpu.memory_space<hbm>>
    %dma_start3A_50 = tpu.memref_slice %arg3[%dma_start3A_47, %add3A_46] : memref<2x320000xi32, #tpu.memory_space<hbm>> -> memref<1x128xi32, #tpu.memory_space<hbm>>
    %dma_start3A_51 = tpu.memref_squeeze %dma_start3A_50 : memref<1x128xi32, #tpu.memory_space<hbm>> -> memref<128xi32, #tpu.memory_space<hbm>>
    tpu.enqueue_dma source(%dma_start3A_51 : memref<128xi32, #tpu.memory_space<hbm>>) target(%arg12 : memref<128xi32, #tpu.memory_space<vmem>>) target_semaphore(%arg24 : memref<!tpu.dma_semaphore, #tpu.memory_space<semaphore_mem>>)
    %add3A_52 = arith.constant 0 : i32
    %add3A_53 = arith.addi %mul3A_2, %add3A_52 : i32
    %dma_wait3A = arith.constant 0 : i32
    %dma_wait3A_54 = tpu.memref_slice %arg3[%dma_wait3A, %add3A_53] : memref<2x320000xi32, #tpu.memory_space<hbm>> -> memref<1x128xi32, #tpu.memory_space<hbm>>
    %dma_wait3A_55 = tpu.memref_squeeze %dma_wait3A_54 : memref<1x128xi32, #tpu.memory_space<hbm>> -> memref<128xi32, #tpu.memory_space<hbm>>
    %dma_wait3A_56 = tpu.memref_slice %arg3[%dma_wait3A, %add3A_53] : memref<2x320000xi32, #tpu.memory_space<hbm>> -> memref<1x128xi32, #tpu.memory_space<hbm>>
    %dma_wait3A_57 = tpu.memref_squeeze %dma_wait3A_56 : memref<1x128xi32, #tpu.memory_space<hbm>> -> memref<128xi32, #tpu.memory_space<hbm>>
    tpu.wait_dma2 semaphore(%arg23 : memref<!tpu.dma_semaphore, #tpu.memory_space<semaphore_mem>>) src(%dma_wait3A_57 : memref<128xi32, #tpu.memory_space<hbm>>) dst(%arg9 : memref<128xi32, #tpu.memory_space<vmem>>)
    %add3A_58 = arith.constant 0 : i32
    %add3A_59 = arith.addi %mul3A_2, %add3A_58 : i32
    %dma_wait3A_60 = arith.constant 1 : i32
    %dma_wait3A_61 = tpu.memref_slice %arg3[%dma_wait3A_60, %add3A_59] : memref<2x320000xi32, #tpu.memory_space<hbm>> -> memref<1x128xi32, #tpu.memory_space<hbm>>
    %dma_wait3A_62 = tpu.memref_squeeze %dma_wait3A_61 : memref<1x128xi32, #tpu.memory_space<hbm>> -> memref<128xi32, #tpu.memory_space<hbm>>
    %dma_wait3A_63 = tpu.memref_slice %arg3[%dma_wait3A_60, %add3A_59] : memref<2x320000xi32, #tpu.memory_space<hbm>> -> memref<1x128xi32, #tpu.memory_space<hbm>>
    %dma_wait3A_64 = tpu.memref_squeeze %dma_wait3A_63 : memref<1x128xi32, #tpu.memory_space<hbm>> -> memref<128xi32, #tpu.memory_space<hbm>>
    tpu.wait_dma2 semaphore(%arg23 : memref<!tpu.dma_semaphore, #tpu.memory_space<semaphore_mem>>) src(%dma_wait3A_64 : memref<128xi32, #tpu.memory_space<hbm>>) dst(%arg11 : memref<128xi32, #tpu.memory_space<vmem>>)
    %dma_start3A_65 = arith.constant 0 : i32
    %dma_start3A_66 = arith.constant 0 : i32
    %dma_start3A_67 = tpu.memref_slice %arg2[%dma_start3A_65, %dma_start3A_66] : memref<10000x128xf32, #tpu.memory_space<hbm>> -> memref<10000x128xf32, #tpu.memory_space<hbm>>
    tpu.enqueue_indirect_dma source(%dma_start3A_67 : memref<10000x128xf32, #tpu.memory_space<hbm>>) target(%arg15 : memref<128x128xf32, #tpu.memory_space<vmem>>) offsets(%arg9 : memref<128xi32, #tpu.memory_space<vmem>>) semaphore(%arg25 : memref<!tpu.dma_semaphore, #tpu.memory_space<semaphore_mem>>)
    %add3A_68 = arith.constant 0 : i32
    %add3A_69 = arith.addi %mul3A_2, %add3A_68 : i32
    %dma_start3A_70 = arith.constant 0 : i32
    %dma_start3A_71 = tpu.memref_slice %arg4[%add3A_69, %dma_start3A_70] : memref<320000x16xf32, #tpu.memory_space<hbm>> -> memref<128x16xf32, #tpu.memory_space<hbm>>
    %dma_start3A_72 = arith.constant 0 : i32
    %dma_start3A_73 = tpu.memref_slice %arg4[%add3A_69, %dma_start3A_72] : memref<320000x16xf32, #tpu.memory_space<hbm>> -> memref<128x16xf32, #tpu.memory_space<hbm>>
    tpu.enqueue_dma source(%dma_start3A_73 : memref<128x16xf32, #tpu.memory_space<hbm>>) target(%arg18 : memref<128x16xf32, #tpu.memory_space<vmem>>) target_semaphore(%arg25 : memref<!tpu.dma_semaphore, #tpu.memory_space<semaphore_mem>>)
    %scan3A = arith.constant 0 : i32
    %scan3A_74 = arith.constant 0 : i32
    %scan3A_75 = arith.constant 39 : i32
    %scan3A_76 = arith.addi %scan3A_74, %scan3A_75 : i32
    %scan3A_77 = arith.constant 1 : i32
    scf.for %scan3A_141 = %scan3A_74 to %scan3A_76 step %scan3A_77  : i32 {
      %mul3A_142 = arith.constant 2 : i32
      %mul3A_143 = arith.muli %mul3A_142, %scan3A_141 : i32
      %add3A_144 = arith.constant 1 : i32
      %add3A_145 = arith.addi %mul3A_143, %add3A_144 : i32
      %lt3A = arith.constant 78 : i32
      %lt3A_146 = arith.cmpi slt, %add3A_145, %lt3A : i32
      %convert_element_type3A = arith.extui %lt3A_146 : i1 to i32
      %cond3A = arith.constant 0 : i32
      %cond3A_147 = arith.cmpi ne, %convert_element_type3A, %cond3A : i32
      scf.if %cond3A_147 {
        %add3A_217 = arith.constant 1 : i32
        %add3A_218 = arith.addi %mul3A_143, %add3A_217 : i32
        %mul3A_219 = arith.constant 128 : i32
        %mul3A_220 = arith.muli %add3A_218, %mul3A_219 : i32
        %add3A_221 = arith.addi %mul3A_2, %mul3A_220 : i32
        %dma_wait3A_222 = arith.constant 0 : i32
        %dma_wait3A_223 = tpu.memref_slice %arg3[%dma_wait3A_222, %add3A_221] : memref<2x320000xi32, #tpu.memory_space<hbm>> -> memref<1x128xi32, #tpu.memory_space<hbm>>
        %dma_wait3A_224 = tpu.memref_squeeze %dma_wait3A_223 : memref<1x128xi32, #tpu.memory_space<hbm>> -> memref<128xi32, #tpu.memory_space<hbm>>
        %dma_wait3A_225 = tpu.memref_slice %arg3[%dma_wait3A_222, %add3A_221] : memref<2x320000xi32, #tpu.memory_space<hbm>> -> memref<1x128xi32, #tpu.memory_space<hbm>>
        %dma_wait3A_226 = tpu.memref_squeeze %dma_wait3A_225 : memref<1x128xi32, #tpu.memory_space<hbm>> -> memref<128xi32, #tpu.memory_space<hbm>>
        tpu.wait_dma2 semaphore(%arg24 : memref<!tpu.dma_semaphore, #tpu.memory_space<semaphore_mem>>) src(%dma_wait3A_226 : memref<128xi32, #tpu.memory_space<hbm>>) dst(%arg10 : memref<128xi32, #tpu.memory_space<vmem>>)
        %mul3A_227 = arith.constant 128 : i32
        %mul3A_228 = arith.muli %add3A_218, %mul3A_227 : i32
        %add3A_229 = arith.addi %mul3A_2, %mul3A_228 : i32
        %dma_wait3A_230 = arith.constant 1 : i32
        %dma_wait3A_231 = tpu.memref_slice %arg3[%dma_wait3A_230, %add3A_229] : memref<2x320000xi32, #tpu.memory_space<hbm>> -> memref<1x128xi32, #tpu.memory_space<hbm>>
        %dma_wait3A_232 = tpu.memref_squeeze %dma_wait3A_231 : memref<1x128xi32, #tpu.memory_space<hbm>> -> memref<128xi32, #tpu.memory_space<hbm>>
        %dma_wait3A_233 = tpu.memref_slice %arg3[%dma_wait3A_230, %add3A_229] : memref<2x320000xi32, #tpu.memory_space<hbm>> -> memref<1x128xi32, #tpu.memory_space<hbm>>
        %dma_wait3A_234 = tpu.memref_squeeze %dma_wait3A_233 : memref<1x128xi32, #tpu.memory_space<hbm>> -> memref<128xi32, #tpu.memory_space<hbm>>
        tpu.wait_dma2 semaphore(%arg24 : memref<!tpu.dma_semaphore, #tpu.memory_space<semaphore_mem>>) src(%dma_wait3A_234 : memref<128xi32, #tpu.memory_space<hbm>>) dst(%arg12 : memref<128xi32, #tpu.memory_space<vmem>>)
        %add3A_235 = arith.constant 1 : i32
        %add3A_236 = arith.addi %mul3A_143, %add3A_235 : i32
        %dma_start3A_237 = arith.constant 0 : i32
        %dma_start3A_238 = arith.constant 0 : i32
        %dma_start3A_239 = tpu.memref_slice %arg2[%dma_start3A_237, %dma_start3A_238] : memref<10000x128xf32, #tpu.memory_space<hbm>> -> memref<10000x128xf32, #tpu.memory_space<hbm>>
        tpu.enqueue_indirect_dma source(%dma_start3A_239 : memref<10000x128xf32, #tpu.memory_space<hbm>>) target(%arg16 : memref<128x128xf32, #tpu.memory_space<vmem>>) offsets(%arg10 : memref<128xi32, #tpu.memory_space<vmem>>) semaphore(%arg26 : memref<!tpu.dma_semaphore, #tpu.memory_space<semaphore_mem>>)
        %mul3A_240 = arith.constant 128 : i32
        %mul3A_241 = arith.muli %add3A_236, %mul3A_240 : i32
        %add3A_242 = arith.addi %mul3A_2, %mul3A_241 : i32
        %dma_start3A_243 = arith.constant 0 : i32
        %dma_start3A_244 = tpu.memref_slice %arg4[%add3A_242, %dma_start3A_243] : memref<320000x16xf32, #tpu.memory_space<hbm>> -> memref<128x16xf32, #tpu.memory_space<hbm>>
        %dma_start3A_245 = arith.constant 0 : i32
        %dma_start3A_246 = tpu.memref_slice %arg4[%add3A_242, %dma_start3A_245] : memref<320000x16xf32, #tpu.memory_space<hbm>> -> memref<128x16xf32, #tpu.memory_space<hbm>>
        tpu.enqueue_dma source(%dma_start3A_246 : memref<128x16xf32, #tpu.memory_space<hbm>>) target(%arg19 : memref<128x16xf32, #tpu.memory_space<vmem>>) target_semaphore(%arg26 : memref<!tpu.dma_semaphore, #tpu.memory_space<semaphore_mem>>)
      } else {
      }
      %dma_wait3A_148 = arith.constant 0 : i32
      %dma_wait3A_149 = arith.constant 0 : i32
      %dma_wait3A_150 = tpu.memref_slice %arg2[%dma_wait3A_148, %dma_wait3A_149] : memref<10000x128xf32, #tpu.memory_space<hbm>> -> memref<10000x128xf32, #tpu.memory_space<hbm>>
      tpu.wait_indirect_dma semaphore(%arg25 : memref<!tpu.dma_semaphore, #tpu.memory_space<semaphore_mem>>) src(%dma_wait3A_150 : memref<10000x128xf32, #tpu.memory_space<hbm>>) dst(%arg15 : memref<128x128xf32, #tpu.memory_space<vmem>>)
      %mul3A_151 = arith.constant 128 : i32
      %mul3A_152 = arith.muli %mul3A_143, %mul3A_151 : i32
      %add3A_153 = arith.addi %mul3A_2, %mul3A_152 : i32
      %dma_wait3A_154 = arith.constant 0 : i32
      %dma_wait3A_155 = tpu.memref_slice %arg4[%add3A_153, %dma_wait3A_154] : memref<320000x16xf32, #tpu.memory_space<hbm>> -> memref<128x16xf32, #tpu.memory_space<hbm>>
      %dma_wait3A_156 = arith.constant 0 : i32
      %dma_wait3A_157 = tpu.memref_slice %arg4[%add3A_153, %dma_wait3A_156] : memref<320000x16xf32, #tpu.memory_space<hbm>> -> memref<128x16xf32, #tpu.memory_space<hbm>>
      tpu.wait_dma2 semaphore(%arg25 : memref<!tpu.dma_semaphore, #tpu.memory_space<semaphore_mem>>) src(%dma_wait3A_157 : memref<128x16xf32, #tpu.memory_space<hbm>>) dst(%arg18 : memref<128x16xf32, #tpu.memory_space<vmem>>)
      %dma_start3A_158 = arith.constant 0 : i32
      %dma_start3A_159 = arith.constant 0 : i32
      %dma_start3A_160 = tpu.memref_slice %arg21[%dma_start3A_158, %dma_start3A_159] : memref<10112x128xf32, #tpu.memory_space<vmem_shared>> -> memref<10112x128xf32, #tpu.memory_space<vmem_shared>>
      tpu.enqueue_indirect_dma source(%arg15 : memref<128x128xf32, #tpu.memory_space<vmem>>) target(%dma_start3A_160 : memref<10112x128xf32, #tpu.memory_space<vmem_shared>>) offsets(%arg11 : memref<128xi32, #tpu.memory_space<vmem>>) semaphore(%arg27 : memref<!tpu.dma_semaphore, #tpu.memory_space<semaphore_mem>>) {add = true}
      %dma_start3A_161 = arith.constant 0 : i32
      %dma_start3A_162 = arith.constant 0 : i32
      %dma_start3A_163 = tpu.memref_slice %arg22[%dma_start3A_161, %dma_start3A_162] : memref<10112x16xf32, #tpu.memory_space<vmem_shared>> -> memref<10112x16xf32, #tpu.memory_space<vmem_shared>>
      tpu.enqueue_indirect_dma source(%arg18 : memref<128x16xf32, #tpu.memory_space<vmem>>) target(%dma_start3A_163 : memref<10112x16xf32, #tpu.memory_space<vmem_shared>>) offsets(%arg11 : memref<128xi32, #tpu.memory_space<vmem>>) semaphore(%arg27 : memref<!tpu.dma_semaphore, #tpu.memory_space<semaphore_mem>>) {add = true}
      %dma_wait3A_164 = arith.constant 0 : i32
      %dma_wait3A_165 = arith.constant 0 : i32
      %dma_wait3A_166 = tpu.memref_slice %arg21[%dma_wait3A_164, %dma_wait3A_165] : memref<10112x128xf32, #tpu.memory_space<vmem_shared>> -> memref<10112x128xf32, #tpu.memory_space<vmem_shared>>
      tpu.wait_indirect_dma semaphore(%arg27 : memref<!tpu.dma_semaphore, #tpu.memory_space<semaphore_mem>>) src(%arg15 : memref<128x128xf32, #tpu.memory_space<vmem>>) dst(%dma_wait3A_166 : memref<10112x128xf32, #tpu.memory_space<vmem_shared>>)
      %dma_wait3A_167 = arith.constant 0 : i32
      %dma_wait3A_168 = arith.constant 0 : i32
      %dma_wait3A_169 = tpu.memref_slice %arg22[%dma_wait3A_167, %dma_wait3A_168] : memref<10112x16xf32, #tpu.memory_space<vmem_shared>> -> memref<10112x16xf32, #tpu.memory_space<vmem_shared>>
      tpu.wait_indirect_dma semaphore(%arg27 : memref<!tpu.dma_semaphore, #tpu.memory_space<semaphore_mem>>) src(%arg18 : memref<128x16xf32, #tpu.memory_space<vmem>>) dst(%dma_wait3A_169 : memref<10112x16xf32, #tpu.memory_space<vmem_shared>>)
      %add3A_170 = arith.constant 2 : i32
      %add3A_171 = arith.addi %mul3A_143, %add3A_170 : i32
      %lt3A_172 = arith.constant 78 : i32
      %lt3A_173 = arith.cmpi slt, %add3A_171, %lt3A_172 : i32
      %convert_element_type3A_174 = arith.extui %lt3A_173 : i1 to i32
      %cond3A_175 = arith.constant 0 : i32
      %cond3A_176 = arith.cmpi ne, %convert_element_type3A_174, %cond3A_175 : i32
      scf.if %cond3A_176 {
        %add3A_217 = arith.constant 2 : i32
        %add3A_218 = arith.addi %mul3A_143, %add3A_217 : i32
        %mul3A_219 = arith.constant 128 : i32
        %mul3A_220 = arith.muli %add3A_218, %mul3A_219 : i32
        %add3A_221 = arith.addi %mul3A_2, %mul3A_220 : i32
        %dma_start3A_222 = arith.constant 0 : i32
        %dma_start3A_223 = tpu.memref_slice %arg3[%dma_start3A_222, %add3A_221] : memref<2x320000xi32, #tpu.memory_space<hbm>> -> memref<1x128xi32, #tpu.memory_space<hbm>>
        %dma_start3A_224 = tpu.memref_squeeze %dma_start3A_223 : memref<1x128xi32, #tpu.memory_space<hbm>> -> memref<128xi32, #tpu.memory_space<hbm>>
        %dma_start3A_225 = tpu.memref_slice %arg3[%dma_start3A_222, %add3A_221] : memref<2x320000xi32, #tpu.memory_space<hbm>> -> memref<1x128xi32, #tpu.memory_space<hbm>>
        %dma_start3A_226 = tpu.memref_squeeze %dma_start3A_225 : memref<1x128xi32, #tpu.memory_space<hbm>> -> memref<128xi32, #tpu.memory_space<hbm>>
        tpu.enqueue_dma source(%dma_start3A_226 : memref<128xi32, #tpu.memory_space<hbm>>) target(%arg9 : memref<128xi32, #tpu.memory_space<vmem>>) target_semaphore(%arg23 : memref<!tpu.dma_semaphore, #tpu.memory_space<semaphore_mem>>)
        %mul3A_227 = arith.constant 128 : i32
        %mul3A_228 = arith.muli %add3A_218, %mul3A_227 : i32
        %add3A_229 = arith.addi %mul3A_2, %mul3A_228 : i32
        %dma_start3A_230 = arith.constant 1 : i32
        %dma_start3A_231 = tpu.memref_slice %arg3[%dma_start3A_230, %add3A_229] : memref<2x320000xi32, #tpu.memory_space<hbm>> -> memref<1x128xi32, #tpu.memory_space<hbm>>
        %dma_start3A_232 = tpu.memref_squeeze %dma_start3A_231 : memref<1x128xi32, #tpu.memory_space<hbm>> -> memref<128xi32, #tpu.memory_space<hbm>>
        %dma_start3A_233 = tpu.memref_slice %arg3[%dma_start3A_230, %add3A_229] : memref<2x320000xi32, #tpu.memory_space<hbm>> -> memref<1x128xi32, #tpu.memory_space<hbm>>
        %dma_start3A_234 = tpu.memref_squeeze %dma_start3A_233 : memref<1x128xi32, #tpu.memory_space<hbm>> -> memref<128xi32, #tpu.memory_space<hbm>>
        tpu.enqueue_dma source(%dma_start3A_234 : memref<128xi32, #tpu.memory_space<hbm>>) target(%arg11 : memref<128xi32, #tpu.memory_space<vmem>>) target_semaphore(%arg23 : memref<!tpu.dma_semaphore, #tpu.memory_space<semaphore_mem>>)
      } else {
      }
      %mul3A_177 = arith.constant 2 : i32
      %mul3A_178 = arith.muli %mul3A_177, %scan3A_141 : i32
      %add3A_179 = arith.constant 1 : i32
      %add3A_180 = arith.addi %mul3A_178, %add3A_179 : i32
      %add3A_181 = arith.constant 1 : i32
      %add3A_182 = arith.addi %add3A_180, %add3A_181 : i32
      %lt3A_183 = arith.constant 78 : i32
      %lt3A_184 = arith.cmpi slt, %add3A_182, %lt3A_183 : i32
      %convert_element_type3A_185 = arith.extui %lt3A_184 : i1 to i32
      %cond3A_186 = arith.constant 0 : i32
      %cond3A_187 = arith.cmpi ne, %convert_element_type3A_185, %cond3A_186 : i32
      scf.if %cond3A_187 {
        %add3A_217 = arith.constant 1 : i32
        %add3A_218 = arith.addi %add3A_180, %add3A_217 : i32
        %mul3A_219 = arith.constant 128 : i32
        %mul3A_220 = arith.muli %add3A_218, %mul3A_219 : i32
        %add3A_221 = arith.addi %mul3A_2, %mul3A_220 : i32
        %dma_wait3A_222 = arith.constant 0 : i32
        %dma_wait3A_223 = tpu.memref_slice %arg3[%dma_wait3A_222, %add3A_221] : memref<2x320000xi32, #tpu.memory_space<hbm>> -> memref<1x128xi32, #tpu.memory_space<hbm>>
        %dma_wait3A_224 = tpu.memref_squeeze %dma_wait3A_223 : memref<1x128xi32, #tpu.memory_space<hbm>> -> memref<128xi32, #tpu.memory_space<hbm>>
        %dma_wait3A_225 = tpu.memref_slice %arg3[%dma_wait3A_222, %add3A_221] : memref<2x320000xi32, #tpu.memory_space<hbm>> -> memref<1x128xi32, #tpu.memory_space<hbm>>
        %dma_wait3A_226 = tpu.memref_squeeze %dma_wait3A_225 : memref<1x128xi32, #tpu.memory_space<hbm>> -> memref<128xi32, #tpu.memory_space<hbm>>
        tpu.wait_dma2 semaphore(%arg23 : memref<!tpu.dma_semaphore, #tpu.memory_space<semaphore_mem>>) src(%dma_wait3A_226 : memref<128xi32, #tpu.memory_space<hbm>>) dst(%arg9 : memref<128xi32, #tpu.memory_space<vmem>>)
        %mul3A_227 = arith.constant 128 : i32
        %mul3A_228 = arith.muli %add3A_218, %mul3A_227 : i32
        %add3A_229 = arith.addi %mul3A_2, %mul3A_228 : i32
        %dma_wait3A_230 = arith.constant 1 : i32
        %dma_wait3A_231 = tpu.memref_slice %arg3[%dma_wait3A_230, %add3A_229] : memref<2x320000xi32, #tpu.memory_space<hbm>> -> memref<1x128xi32, #tpu.memory_space<hbm>>
        %dma_wait3A_232 = tpu.memref_squeeze %dma_wait3A_231 : memref<1x128xi32, #tpu.memory_space<hbm>> -> memref<128xi32, #tpu.memory_space<hbm>>
        %dma_wait3A_233 = tpu.memref_slice %arg3[%dma_wait3A_230, %add3A_229] : memref<2x320000xi32, #tpu.memory_space<hbm>> -> memref<1x128xi32, #tpu.memory_space<hbm>>
        %dma_wait3A_234 = tpu.memref_squeeze %dma_wait3A_233 : memref<1x128xi32, #tpu.memory_space<hbm>> -> memref<128xi32, #tpu.memory_space<hbm>>
        tpu.wait_dma2 semaphore(%arg23 : memref<!tpu.dma_semaphore, #tpu.memory_space<semaphore_mem>>) src(%dma_wait3A_234 : memref<128xi32, #tpu.memory_space<hbm>>) dst(%arg11 : memref<128xi32, #tpu.memory_space<vmem>>)
        %add3A_235 = arith.constant 1 : i32
        %add3A_236 = arith.addi %add3A_180, %add3A_235 : i32
        %dma_start3A_237 = arith.constant 0 : i32
        %dma_start3A_238 = arith.constant 0 : i32
        %dma_start3A_239 = tpu.memref_slice %arg2[%dma_start3A_237, %dma_start3A_238] : memref<10000x128xf32, #tpu.memory_space<hbm>> -> memref<10000x128xf32, #tpu.memory_space<hbm>>
        tpu.enqueue_indirect_dma source(%dma_start3A_239 : memref<10000x128xf32, #tpu.memory_space<hbm>>) target(%arg15 : memref<128x128xf32, #tpu.memory_space<vmem>>) offsets(%arg9 : memref<128xi32, #tpu.memory_space<vmem>>) semaphore(%arg25 : memref<!tpu.dma_semaphore, #tpu.memory_space<semaphore_mem>>)
        %mul3A_240 = arith.constant 128 : i32
        %mul3A_241 = arith.muli %add3A_236, %mul3A_240 : i32
        %add3A_242 = arith.addi %mul3A_2, %mul3A_241 : i32
        %dma_start3A_243 = arith.constant 0 : i32
        %dma_start3A_244 = tpu.memref_slice %arg4[%add3A_242, %dma_start3A_243] : memref<320000x16xf32, #tpu.memory_space<hbm>> -> memref<128x16xf32, #tpu.memory_space<hbm>>
        %dma_start3A_245 = arith.constant 0 : i32
        %dma_start3A_246 = tpu.memref_slice %arg4[%add3A_242, %dma_start3A_245] : memref<320000x16xf32, #tpu.memory_space<hbm>> -> memref<128x16xf32, #tpu.memory_space<hbm>>
        tpu.enqueue_dma source(%dma_start3A_246 : memref<128x16xf32, #tpu.memory_space<hbm>>) target(%arg18 : memref<128x16xf32, #tpu.memory_space<vmem>>) target_semaphore(%arg25 : memref<!tpu.dma_semaphore, #tpu.memory_space<semaphore_mem>>)
      } else {
      }
      %dma_wait3A_188 = arith.constant 0 : i32
      %dma_wait3A_189 = arith.constant 0 : i32
      %dma_wait3A_190 = tpu.memref_slice %arg2[%dma_wait3A_188, %dma_wait3A_189] : memref<10000x128xf32, #tpu.memory_space<hbm>> -> memref<10000x128xf32, #tpu.memory_space<hbm>>
      tpu.wait_indirect_dma semaphore(%arg26 : memref<!tpu.dma_semaphore, #tpu.memory_space<semaphore_mem>>) src(%dma_wait3A_190 : memref<10000x128xf32, #tpu.memory_space<hbm>>) dst(%arg16 : memref<128x128xf32, #tpu.memory_space<vmem>>)
      %mul3A_191 = arith.constant 128 : i32
      %mul3A_192 = arith.muli %add3A_180, %mul3A_191 : i32
      %add3A_193 = arith.addi %mul3A_2, %mul3A_192 : i32
      %dma_wait3A_194 = arith.constant 0 : i32
      %dma_wait3A_195 = tpu.memref_slice %arg4[%add3A_193, %dma_wait3A_194] : memref<320000x16xf32, #tpu.memory_space<hbm>> -> memref<128x16xf32, #tpu.memory_space<hbm>>
      %dma_wait3A_196 = arith.constant 0 : i32
      %dma_wait3A_197 = tpu.memref_slice %arg4[%add3A_193, %dma_wait3A_196] : memref<320000x16xf32, #tpu.memory_space<hbm>> -> memref<128x16xf32, #tpu.memory_space<hbm>>
      tpu.wait_dma2 semaphore(%arg26 : memref<!tpu.dma_semaphore, #tpu.memory_space<semaphore_mem>>) src(%dma_wait3A_197 : memref<128x16xf32, #tpu.memory_space<hbm>>) dst(%arg19 : memref<128x16xf32, #tpu.memory_space<vmem>>)
      %dma_start3A_198 = arith.constant 0 : i32
      %dma_start3A_199 = arith.constant 0 : i32
      %dma_start3A_200 = tpu.memref_slice %arg21[%dma_start3A_198, %dma_start3A_199] : memref<10112x128xf32, #tpu.memory_space<vmem_shared>> -> memref<10112x128xf32, #tpu.memory_space<vmem_shared>>
      tpu.enqueue_indirect_dma source(%arg16 : memref<128x128xf32, #tpu.memory_space<vmem>>) target(%dma_start3A_200 : memref<10112x128xf32, #tpu.memory_space<vmem_shared>>) offsets(%arg12 : memref<128xi32, #tpu.memory_space<vmem>>) semaphore(%arg28 : memref<!tpu.dma_semaphore, #tpu.memory_space<semaphore_mem>>) {add = true}
      %dma_start3A_201 = arith.constant 0 : i32
      %dma_start3A_202 = arith.constant 0 : i32
      %dma_start3A_203 = tpu.memref_slice %arg22[%dma_start3A_201, %dma_start3A_202] : memref<10112x16xf32, #tpu.memory_space<vmem_shared>> -> memref<10112x16xf32, #tpu.memory_space<vmem_shared>>
      tpu.enqueue_indirect_dma source(%arg19 : memref<128x16xf32, #tpu.memory_space<vmem>>) target(%dma_start3A_203 : memref<10112x16xf32, #tpu.memory_space<vmem_shared>>) offsets(%arg12 : memref<128xi32, #tpu.memory_space<vmem>>) semaphore(%arg28 : memref<!tpu.dma_semaphore, #tpu.memory_space<semaphore_mem>>) {add = true}
      %dma_wait3A_204 = arith.constant 0 : i32
      %dma_wait3A_205 = arith.constant 0 : i32
      %dma_wait3A_206 = tpu.memref_slice %arg21[%dma_wait3A_204, %dma_wait3A_205] : memref<10112x128xf32, #tpu.memory_space<vmem_shared>> -> memref<10112x128xf32, #tpu.memory_space<vmem_shared>>
      tpu.wait_indirect_dma semaphore(%arg28 : memref<!tpu.dma_semaphore, #tpu.memory_space<semaphore_mem>>) src(%arg16 : memref<128x128xf32, #tpu.memory_space<vmem>>) dst(%dma_wait3A_206 : memref<10112x128xf32, #tpu.memory_space<vmem_shared>>)
      %dma_wait3A_207 = arith.constant 0 : i32
      %dma_wait3A_208 = arith.constant 0 : i32
      %dma_wait3A_209 = tpu.memref_slice %arg22[%dma_wait3A_207, %dma_wait3A_208] : memref<10112x16xf32, #tpu.memory_space<vmem_shared>> -> memref<10112x16xf32, #tpu.memory_space<vmem_shared>>
      tpu.wait_indirect_dma semaphore(%arg28 : memref<!tpu.dma_semaphore, #tpu.memory_space<semaphore_mem>>) src(%arg19 : memref<128x16xf32, #tpu.memory_space<vmem>>) dst(%dma_wait3A_209 : memref<10112x16xf32, #tpu.memory_space<vmem_shared>>)
      %add3A_210 = arith.constant 2 : i32
      %add3A_211 = arith.addi %add3A_180, %add3A_210 : i32
      %lt3A_212 = arith.constant 78 : i32
      %lt3A_213 = arith.cmpi slt, %add3A_211, %lt3A_212 : i32
      %convert_element_type3A_214 = arith.extui %lt3A_213 : i1 to i32
      %cond3A_215 = arith.constant 0 : i32
      %cond3A_216 = arith.cmpi ne, %convert_element_type3A_214, %cond3A_215 : i32
      scf.if %cond3A_216 {
        %add3A_217 = arith.constant 2 : i32
        %add3A_218 = arith.addi %add3A_180, %add3A_217 : i32
        %mul3A_219 = arith.constant 128 : i32
        %mul3A_220 = arith.muli %add3A_218, %mul3A_219 : i32
        %add3A_221 = arith.addi %mul3A_2, %mul3A_220 : i32
        %dma_start3A_222 = arith.constant 0 : i32
        %dma_start3A_223 = tpu.memref_slice %arg3[%dma_start3A_222, %add3A_221] : memref<2x320000xi32, #tpu.memory_space<hbm>> -> memref<1x128xi32, #tpu.memory_space<hbm>>
        %dma_start3A_224 = tpu.memref_squeeze %dma_start3A_223 : memref<1x128xi32, #tpu.memory_space<hbm>> -> memref<128xi32, #tpu.memory_space<hbm>>
        %dma_start3A_225 = tpu.memref_slice %arg3[%dma_start3A_222, %add3A_221] : memref<2x320000xi32, #tpu.memory_space<hbm>> -> memref<1x128xi32, #tpu.memory_space<hbm>>
        %dma_start3A_226 = tpu.memref_squeeze %dma_start3A_225 : memref<1x128xi32, #tpu.memory_space<hbm>> -> memref<128xi32, #tpu.memory_space<hbm>>
        tpu.enqueue_dma source(%dma_start3A_226 : memref<128xi32, #tpu.memory_space<hbm>>) target(%arg10 : memref<128xi32, #tpu.memory_space<vmem>>) target_semaphore(%arg24 : memref<!tpu.dma_semaphore, #tpu.memory_space<semaphore_mem>>)
        %mul3A_227 = arith.constant 128 : i32
        %mul3A_228 = arith.muli %add3A_218, %mul3A_227 : i32
        %add3A_229 = arith.addi %mul3A_2, %mul3A_228 : i32
        %dma_start3A_230 = arith.constant 1 : i32
        %dma_start3A_231 = tpu.memref_slice %arg3[%dma_start3A_230, %add3A_229] : memref<2x320000xi32, #tpu.memory_space<hbm>> -> memref<1x128xi32, #tpu.memory_space<hbm>>
        %dma_start3A_232 = tpu.memref_squeeze %dma_start3A_231 : memref<1x128xi32, #tpu.memory_space<hbm>> -> memref<128xi32, #tpu.memory_space<hbm>>
        %dma_start3A_233 = tpu.memref_slice %arg3[%dma_start3A_230, %add3A_229] : memref<2x320000xi32, #tpu.memory_space<hbm>> -> memref<1x128xi32, #tpu.memory_space<hbm>>
        %dma_start3A_234 = tpu.memref_squeeze %dma_start3A_233 : memref<1x128xi32, #tpu.memory_space<hbm>> -> memref<128xi32, #tpu.memory_space<hbm>>
        tpu.enqueue_dma source(%dma_start3A_234 : memref<128xi32, #tpu.memory_space<hbm>>) target(%arg12 : memref<128xi32, #tpu.memory_space<vmem>>) target_semaphore(%arg24 : memref<!tpu.dma_semaphore, #tpu.memory_space<semaphore_mem>>)
      } else {
      }
    }
    %scan3A_78 = arith.constant 39 : i32
    %add3A_79 = arith.constant 9984 : i32
    %add3A_80 = arith.addi %mul3A_2, %add3A_79 : i32
    %run_scoped3A = arith.constant 0 : i32
    "tpu.region"() ({
      %run_scoped3A_141 = tpu.sem_alloc : memref<!tpu.dma_semaphore, #tpu.memory_space<semaphore_mem>>
      %dma_start3A_142 = tpu.memref_slice %arg3[%run_scoped3A, %add3A_80] : memref<2x320000xi32, #tpu.memory_space<hbm>> -> memref<1x16xi32, #tpu.memory_space<hbm>>
      %dma_start3A_143 = tpu.memref_squeeze %dma_start3A_142 : memref<1x16xi32, #tpu.memory_space<hbm>> -> memref<16xi32, #tpu.memory_space<hbm>>
      %dma_start3A_144 = tpu.memref_slice %arg3[%run_scoped3A, %add3A_80] : memref<2x320000xi32, #tpu.memory_space<hbm>> -> memref<1x16xi32, #tpu.memory_space<hbm>>
      %dma_start3A_145 = tpu.memref_squeeze %dma_start3A_144 : memref<1x16xi32, #tpu.memory_space<hbm>> -> memref<16xi32, #tpu.memory_space<hbm>>
      tpu.enqueue_dma source(%dma_start3A_145 : memref<16xi32, #tpu.memory_space<hbm>>) target(%arg13 : memref<16xi32, #tpu.memory_space<vmem>>) target_semaphore(%run_scoped3A_141 : memref<!tpu.dma_semaphore, #tpu.memory_space<semaphore_mem>>)
      %dma_wait3A_146 = tpu.memref_slice %arg3[%run_scoped3A, %add3A_80] : memref<2x320000xi32, #tpu.memory_space<hbm>> -> memref<1x16xi32, #tpu.memory_space<hbm>>
      %dma_wait3A_147 = tpu.memref_squeeze %dma_wait3A_146 : memref<1x16xi32, #tpu.memory_space<hbm>> -> memref<16xi32, #tpu.memory_space<hbm>>
      %dma_wait3A_148 = tpu.memref_slice %arg3[%run_scoped3A, %add3A_80] : memref<2x320000xi32, #tpu.memory_space<hbm>> -> memref<1x16xi32, #tpu.memory_space<hbm>>
      %dma_wait3A_149 = tpu.memref_squeeze %dma_wait3A_148 : memref<1x16xi32, #tpu.memory_space<hbm>> -> memref<16xi32, #tpu.memory_space<hbm>>
      tpu.wait_dma2 semaphore(%run_scoped3A_141 : memref<!tpu.dma_semaphore, #tpu.memory_space<semaphore_mem>>) src(%dma_wait3A_149 : memref<16xi32, #tpu.memory_space<hbm>>) dst(%arg13 : memref<16xi32, #tpu.memory_space<vmem>>)
      tpu.yield
    }) : () -> ()
    %run_scoped3A_81 = arith.constant 1 : i32
    "tpu.region"() ({
      %run_scoped3A_141 = tpu.sem_alloc : memref<!tpu.dma_semaphore, #tpu.memory_space<semaphore_mem>>
      %dma_start3A_142 = tpu.memref_slice %arg3[%run_scoped3A_81, %add3A_80] : memref<2x320000xi32, #tpu.memory_space<hbm>> -> memref<1x16xi32, #tpu.memory_space<hbm>>
      %dma_start3A_143 = tpu.memref_squeeze %dma_start3A_142 : memref<1x16xi32, #tpu.memory_space<hbm>> -> memref<16xi32, #tpu.memory_space<hbm>>
      %dma_start3A_144 = tpu.memref_slice %arg3[%run_scoped3A_81, %add3A_80] : memref<2x320000xi32, #tpu.memory_space<hbm>> -> memref<1x16xi32, #tpu.memory_space<hbm>>
      %dma_start3A_145 = tpu.memref_squeeze %dma_start3A_144 : memref<1x16xi32, #tpu.memory_space<hbm>> -> memref<16xi32, #tpu.memory_space<hbm>>
      tpu.enqueue_dma source(%dma_start3A_145 : memref<16xi32, #tpu.memory_space<hbm>>) target(%arg14 : memref<16xi32, #tpu.memory_space<vmem>>) target_semaphore(%run_scoped3A_141 : memref<!tpu.dma_semaphore, #tpu.memory_space<semaphore_mem>>)
      %dma_wait3A_146 = tpu.memref_slice %arg3[%run_scoped3A_81, %add3A_80] : memref<2x320000xi32, #tpu.memory_space<hbm>> -> memref<1x16xi32, #tpu.memory_space<hbm>>
      %dma_wait3A_147 = tpu.memref_squeeze %dma_wait3A_146 : memref<1x16xi32, #tpu.memory_space<hbm>> -> memref<16xi32, #tpu.memory_space<hbm>>
      %dma_wait3A_148 = tpu.memref_slice %arg3[%run_scoped3A_81, %add3A_80] : memref<2x320000xi32, #tpu.memory_space<hbm>> -> memref<1x16xi32, #tpu.memory_space<hbm>>
      %dma_wait3A_149 = tpu.memref_squeeze %dma_wait3A_148 : memref<1x16xi32, #tpu.memory_space<hbm>> -> memref<16xi32, #tpu.memory_space<hbm>>
      tpu.wait_dma2 semaphore(%run_scoped3A_141 : memref<!tpu.dma_semaphore, #tpu.memory_space<semaphore_mem>>) src(%dma_wait3A_149 : memref<16xi32, #tpu.memory_space<hbm>>) dst(%arg14 : memref<16xi32, #tpu.memory_space<vmem>>)
      tpu.yield
    }) : () -> ()
    "tpu.region"() ({
      %run_scoped3A_141 = tpu.sem_alloc : memref<!tpu.dma_semaphore, #tpu.memory_space<semaphore_mem>>
      %dma_start3A_142 = arith.constant 0 : i32
      %dma_start3A_143 = tpu.memref_slice %arg4[%add3A_80, %dma_start3A_142] : memref<320000x16xf32, #tpu.memory_space<hbm>> -> memref<16x16xf32, #tpu.memory_space<hbm>>
      %dma_start3A_144 = arith.constant 0 : i32
      %dma_start3A_145 = tpu.memref_slice %arg4[%add3A_80, %dma_start3A_144] : memref<320000x16xf32, #tpu.memory_space<hbm>> -> memref<16x16xf32, #tpu.memory_space<hbm>>
      tpu.enqueue_dma source(%dma_start3A_145 : memref<16x16xf32, #tpu.memory_space<hbm>>) target(%arg20 : memref<16x16xf32, #tpu.memory_space<vmem>>) target_semaphore(%run_scoped3A_141 : memref<!tpu.dma_semaphore, #tpu.memory_space<semaphore_mem>>)
      %dma_wait3A_146 = arith.constant 0 : i32
      %dma_wait3A_147 = tpu.memref_slice %arg4[%add3A_80, %dma_wait3A_146] : memref<320000x16xf32, #tpu.memory_space<hbm>> -> memref<16x16xf32, #tpu.memory_space<hbm>>
      %dma_wait3A_148 = arith.constant 0 : i32
      %dma_wait3A_149 = tpu.memref_slice %arg4[%add3A_80, %dma_wait3A_148] : memref<320000x16xf32, #tpu.memory_space<hbm>> -> memref<16x16xf32, #tpu.memory_space<hbm>>
      tpu.wait_dma2 semaphore(%run_scoped3A_141 : memref<!tpu.dma_semaphore, #tpu.memory_space<semaphore_mem>>) src(%dma_wait3A_149 : memref<16x16xf32, #tpu.memory_space<hbm>>) dst(%arg20 : memref<16x16xf32, #tpu.memory_space<vmem>>)
      tpu.yield
    }) : () -> ()
    %dma_start3A_82 = arith.constant 0 : i32
    %dma_start3A_83 = arith.constant 0 : i32
    %dma_start3A_84 = tpu.memref_slice %arg2[%dma_start3A_82, %dma_start3A_83] : memref<10000x128xf32, #tpu.memory_space<hbm>> -> memref<10000x128xf32, #tpu.memory_space<hbm>>
    tpu.enqueue_indirect_dma source(%dma_start3A_84 : memref<10000x128xf32, #tpu.memory_space<hbm>>) target(%arg17 : memref<16x128xf32, #tpu.memory_space<vmem>>) offsets(%arg13 : memref<16xi32, #tpu.memory_space<vmem>>) semaphore(%arg25 : memref<!tpu.dma_semaphore, #tpu.memory_space<semaphore_mem>>)
    %dma_wait3A_85 = arith.constant 0 : i32
    %dma_wait3A_86 = arith.constant 0 : i32
    %dma_wait3A_87 = tpu.memref_slice %arg2[%dma_wait3A_85, %dma_wait3A_86] : memref<10000x128xf32, #tpu.memory_space<hbm>> -> memref<10000x128xf32, #tpu.memory_space<hbm>>
    tpu.wait_indirect_dma semaphore(%arg25 : memref<!tpu.dma_semaphore, #tpu.memory_space<semaphore_mem>>) src(%dma_wait3A_87 : memref<10000x128xf32, #tpu.memory_space<hbm>>) dst(%arg17 : memref<16x128xf32, #tpu.memory_space<vmem>>)
    %dma_start3A_88 = arith.constant 0 : i32
    %dma_start3A_89 = arith.constant 0 : i32
    %dma_start3A_90 = tpu.memref_slice %arg21[%dma_start3A_88, %dma_start3A_89] : memref<10112x128xf32, #tpu.memory_space<vmem_shared>> -> memref<10112x128xf32, #tpu.memory_space<vmem_shared>>
    tpu.enqueue_indirect_dma source(%arg17 : memref<16x128xf32, #tpu.memory_space<vmem>>) target(%dma_start3A_90 : memref<10112x128xf32, #tpu.memory_space<vmem_shared>>) offsets(%arg14 : memref<16xi32, #tpu.memory_space<vmem>>) semaphore(%arg27 : memref<!tpu.dma_semaphore, #tpu.memory_space<semaphore_mem>>) {add = true}
    %dma_start3A_91 = arith.constant 0 : i32
    %dma_start3A_92 = arith.constant 0 : i32
    %dma_start3A_93 = tpu.memref_slice %arg22[%dma_start3A_91, %dma_start3A_92] : memref<10112x16xf32, #tpu.memory_space<vmem_shared>> -> memref<10112x16xf32, #tpu.memory_space<vmem_shared>>
    tpu.enqueue_indirect_dma source(%arg20 : memref<16x16xf32, #tpu.memory_space<vmem>>) target(%dma_start3A_93 : memref<10112x16xf32, #tpu.memory_space<vmem_shared>>) offsets(%arg14 : memref<16xi32, #tpu.memory_space<vmem>>) semaphore(%arg27 : memref<!tpu.dma_semaphore, #tpu.memory_space<semaphore_mem>>) {add = true}
    %dma_wait3A_94 = arith.constant 0 : i32
    %dma_wait3A_95 = arith.constant 0 : i32
    %dma_wait3A_96 = tpu.memref_slice %arg21[%dma_wait3A_94, %dma_wait3A_95] : memref<10112x128xf32, #tpu.memory_space<vmem_shared>> -> memref<10112x128xf32, #tpu.memory_space<vmem_shared>>
    tpu.wait_indirect_dma semaphore(%arg27 : memref<!tpu.dma_semaphore, #tpu.memory_space<semaphore_mem>>) src(%arg17 : memref<16x128xf32, #tpu.memory_space<vmem>>) dst(%dma_wait3A_96 : memref<10112x128xf32, #tpu.memory_space<vmem_shared>>)
    %dma_wait3A_97 = arith.constant 0 : i32
    %dma_wait3A_98 = arith.constant 0 : i32
    %dma_wait3A_99 = tpu.memref_slice %arg22[%dma_wait3A_97, %dma_wait3A_98] : memref<10112x16xf32, #tpu.memory_space<vmem_shared>> -> memref<10112x16xf32, #tpu.memory_space<vmem_shared>>
    tpu.wait_indirect_dma semaphore(%arg27 : memref<!tpu.dma_semaphore, #tpu.memory_space<semaphore_mem>>) src(%arg20 : memref<16x16xf32, #tpu.memory_space<vmem>>) dst(%dma_wait3A_99 : memref<10112x16xf32, #tpu.memory_space<vmem_shared>>)
    %barrier3A_100 = arith.constant 0 : index
    tpu.barrier barrier_id(%barrier3A_100)
    %add3A_101 = arith.constant 0 : i32
    %add3A_102 = arith.addi %mul3A_4, %add3A_101 : i32
    "tpu.region"() ({
      %run_scoped3A_141 = tpu.sem_alloc : memref<!tpu.dma_semaphore, #tpu.memory_space<semaphore_mem>>
      %dma_start3A_142 = arith.constant 0 : i32
      %dma_start3A_143 = arith.constant 0 : i32
      %dma_start3A_144 = tpu.memref_slice %arg15[%dma_start3A_142, %dma_start3A_143] : memref<128x128xf32, #tpu.memory_space<vmem>> -> memref<128x128xf32, #tpu.memory_space<vmem>>
      %dma_start3A_145 = arith.constant 0 : i32
      %dma_start3A_146 = tpu.memref_slice %arg21[%add3A_102, %dma_start3A_145] : memref<10112x128xf32, #tpu.memory_space<vmem_shared>> -> memref<128x128xf32, #tpu.memory_space<vmem_shared>>
      %dma_start3A_147 = arith.constant 0 : i32
      %dma_start3A_148 = arith.constant 0 : i32
      %dma_start3A_149 = tpu.memref_slice %arg15[%dma_start3A_147, %dma_start3A_148] : memref<128x128xf32, #tpu.memory_space<vmem>> -> memref<128x128xf32, #tpu.memory_space<vmem>>
      %dma_start3A_150 = arith.constant 0 : i32
      %dma_start3A_151 = tpu.memref_slice %arg21[%add3A_102, %dma_start3A_150] : memref<10112x128xf32, #tpu.memory_space<vmem_shared>> -> memref<128x128xf32, #tpu.memory_space<vmem_shared>>
      tpu.enqueue_dma source(%dma_start3A_151 : memref<128x128xf32, #tpu.memory_space<vmem_shared>>) target(%dma_start3A_149 : memref<128x128xf32, #tpu.memory_space<vmem>>) target_semaphore(%run_scoped3A_141 : memref<!tpu.dma_semaphore, #tpu.memory_space<semaphore_mem>>)
      %dma_wait3A_152 = arith.constant 0 : i32
      %dma_wait3A_153 = arith.constant 0 : i32
      %dma_wait3A_154 = tpu.memref_slice %arg15[%dma_wait3A_152, %dma_wait3A_153] : memref<128x128xf32, #tpu.memory_space<vmem>> -> memref<128x128xf32, #tpu.memory_space<vmem>>
      %dma_wait3A_155 = arith.constant 0 : i32
      %dma_wait3A_156 = tpu.memref_slice %arg21[%add3A_102, %dma_wait3A_155] : memref<10112x128xf32, #tpu.memory_space<vmem_shared>> -> memref<128x128xf32, #tpu.memory_space<vmem_shared>>
      %dma_wait3A_157 = arith.constant 0 : i32
      %dma_wait3A_158 = arith.constant 0 : i32
      %dma_wait3A_159 = tpu.memref_slice %arg15[%dma_wait3A_157, %dma_wait3A_158] : memref<128x128xf32, #tpu.memory_space<vmem>> -> memref<128x128xf32, #tpu.memory_space<vmem>>
      %dma_wait3A_160 = arith.constant 0 : i32
      %dma_wait3A_161 = tpu.memref_slice %arg21[%add3A_102, %dma_wait3A_160] : memref<10112x128xf32, #tpu.memory_space<vmem_shared>> -> memref<128x128xf32, #tpu.memory_space<vmem_shared>>
      tpu.wait_dma2 semaphore(%run_scoped3A_141 : memref<!tpu.dma_semaphore, #tpu.memory_space<semaphore_mem>>) src(%dma_wait3A_161 : memref<128x128xf32, #tpu.memory_space<vmem_shared>>) dst(%dma_wait3A_159 : memref<128x128xf32, #tpu.memory_space<vmem>>)
      tpu.yield
    }) : () -> ()
    %add3A_103 = arith.constant 0 : i32
    %add3A_104 = arith.addi %mul3A_4, %add3A_103 : i32
    "tpu.region"() ({
      %run_scoped3A_141 = tpu.sem_alloc : memref<!tpu.dma_semaphore, #tpu.memory_space<semaphore_mem>>
      %dma_start3A_142 = arith.constant 0 : i32
      %dma_start3A_143 = arith.constant 0 : i32
      %dma_start3A_144 = tpu.memref_slice %arg15[%dma_start3A_142, %dma_start3A_143] : memref<128x128xf32, #tpu.memory_space<vmem>> -> memref<128x128xf32, #tpu.memory_space<vmem>>
      %dma_start3A_145 = arith.constant 0 : i32
      %dma_start3A_146 = tpu.memref_slice %arg7[%arg0, %add3A_104, %dma_start3A_145] : memref<2x10112x128xf32, #tpu.memory_space<hbm>> -> memref<1x128x128xf32, #tpu.memory_space<hbm>>
      %dma_start3A_147 = tpu.memref_squeeze %dma_start3A_146 : memref<1x128x128xf32, #tpu.memory_space<hbm>> -> memref<128x128xf32, #tpu.memory_space<hbm>>
      %dma_start3A_148 = arith.constant 0 : i32
      %dma_start3A_149 = tpu.memref_slice %arg7[%arg0, %add3A_104, %dma_start3A_148] : memref<2x10112x128xf32, #tpu.memory_space<hbm>> -> memref<1x128x128xf32, #tpu.memory_space<hbm>>
      %dma_start3A_150 = tpu.memref_squeeze %dma_start3A_149 : memref<1x128x128xf32, #tpu.memory_space<hbm>> -> memref<128x128xf32, #tpu.memory_space<hbm>>
      %dma_start3A_151 = arith.constant 0 : i32
      %dma_start3A_152 = arith.constant 0 : i32
      %dma_start3A_153 = tpu.memref_slice %arg15[%dma_start3A_151, %dma_start3A_152] : memref<128x128xf32, #tpu.memory_space<vmem>> -> memref<128x128xf32, #tpu.memory_space<vmem>>
      tpu.enqueue_dma source(%dma_start3A_153 : memref<128x128xf32, #tpu.memory_space<vmem>>) target(%dma_start3A_150 : memref<128x128xf32, #tpu.memory_space<hbm>>) target_semaphore(%run_scoped3A_141 : memref<!tpu.dma_semaphore, #tpu.memory_space<semaphore_mem>>)
      %dma_wait3A_154 = arith.constant 0 : i32
      %dma_wait3A_155 = arith.constant 0 : i32
      %dma_wait3A_156 = tpu.memref_slice %arg15[%dma_wait3A_154, %dma_wait3A_155] : memref<128x128xf32, #tpu.memory_space<vmem>> -> memref<128x128xf32, #tpu.memory_space<vmem>>
      %dma_wait3A_157 = arith.constant 0 : i32
      %dma_wait3A_158 = tpu.memref_slice %arg7[%arg0, %add3A_104, %dma_wait3A_157] : memref<2x10112x128xf32, #tpu.memory_space<hbm>> -> memref<1x128x128xf32, #tpu.memory_space<hbm>>
      %dma_wait3A_159 = tpu.memref_squeeze %dma_wait3A_158 : memref<1x128x128xf32, #tpu.memory_space<hbm>> -> memref<128x128xf32, #tpu.memory_space<hbm>>
      %dma_wait3A_160 = arith.constant 0 : i32
      %dma_wait3A_161 = tpu.memref_slice %arg7[%arg0, %add3A_104, %dma_wait3A_160] : memref<2x10112x128xf32, #tpu.memory_space<hbm>> -> memref<1x128x128xf32, #tpu.memory_space<hbm>>
      %dma_wait3A_162 = tpu.memref_squeeze %dma_wait3A_161 : memref<1x128x128xf32, #tpu.memory_space<hbm>> -> memref<128x128xf32, #tpu.memory_space<hbm>>
      %dma_wait3A_163 = arith.constant 0 : i32
      %dma_wait3A_164 = arith.constant 0 : i32
      %dma_wait3A_165 = tpu.memref_slice %arg15[%dma_wait3A_163, %dma_wait3A_164] : memref<128x128xf32, #tpu.memory_space<vmem>> -> memref<128x128xf32, #tpu.memory_space<vmem>>
      tpu.wait_dma2 semaphore(%run_scoped3A_141 : memref<!tpu.dma_semaphore, #tpu.memory_space<semaphore_mem>>) src(%dma_wait3A_165 : memref<128x128xf32, #tpu.memory_space<vmem>>) dst(%dma_wait3A_162 : memref<128x128xf32, #tpu.memory_space<hbm>>)
      tpu.yield
    }) : () -> ()
    %add3A_105 = arith.constant 0 : i32
    %add3A_106 = arith.addi %mul3A_4, %add3A_105 : i32
    "tpu.region"() ({
      %run_scoped3A_141 = tpu.sem_alloc : memref<!tpu.dma_semaphore, #tpu.memory_space<semaphore_mem>>
      %dma_start3A_142 = arith.constant 0 : i32
      %dma_start3A_143 = arith.constant 0 : i32
      %dma_start3A_144 = tpu.memref_slice %arg18[%dma_start3A_142, %dma_start3A_143] : memref<128x16xf32, #tpu.memory_space<vmem>> -> memref<128x16xf32, #tpu.memory_space<vmem>>
      %dma_start3A_145 = arith.constant 0 : i32
      %dma_start3A_146 = tpu.memref_slice %arg22[%add3A_106, %dma_start3A_145] : memref<10112x16xf32, #tpu.memory_space<vmem_shared>> -> memref<128x16xf32, #tpu.memory_space<vmem_shared>>
      %dma_start3A_147 = arith.constant 0 : i32
      %dma_start3A_148 = arith.constant 0 : i32
      %dma_start3A_149 = tpu.memref_slice %arg18[%dma_start3A_147, %dma_start3A_148] : memref<128x16xf32, #tpu.memory_space<vmem>> -> memref<128x16xf32, #tpu.memory_space<vmem>>
      %dma_start3A_150 = arith.constant 0 : i32
      %dma_start3A_151 = tpu.memref_slice %arg22[%add3A_106, %dma_start3A_150] : memref<10112x16xf32, #tpu.memory_space<vmem_shared>> -> memref<128x16xf32, #tpu.memory_space<vmem_shared>>
      tpu.enqueue_dma source(%dma_start3A_151 : memref<128x16xf32, #tpu.memory_space<vmem_shared>>) target(%dma_start3A_149 : memref<128x16xf32, #tpu.memory_space<vmem>>) target_semaphore(%run_scoped3A_141 : memref<!tpu.dma_semaphore, #tpu.memory_space<semaphore_mem>>)
      %dma_wait3A_152 = arith.constant 0 : i32
      %dma_wait3A_153 = arith.constant 0 : i32
      %dma_wait3A_154 = tpu.memref_slice %arg18[%dma_wait3A_152, %dma_wait3A_153] : memref<128x16xf32, #tpu.memory_space<vmem>> -> memref<128x16xf32, #tpu.memory_space<vmem>>
      %dma_wait3A_155 = arith.constant 0 : i32
      %dma_wait3A_156 = tpu.memref_slice %arg22[%add3A_106, %dma_wait3A_155] : memref<10112x16xf32, #tpu.memory_space<vmem_shared>> -> memref<128x16xf32, #tpu.memory_space<vmem_shared>>
      %dma_wait3A_157 = arith.constant 0 : i32
      %dma_wait3A_158 = arith.constant 0 : i32
      %dma_wait3A_159 = tpu.memref_slice %arg18[%dma_wait3A_157, %dma_wait3A_158] : memref<128x16xf32, #tpu.memory_space<vmem>> -> memref<128x16xf32, #tpu.memory_space<vmem>>
      %dma_wait3A_160 = arith.constant 0 : i32
      %dma_wait3A_161 = tpu.memref_slice %arg22[%add3A_106, %dma_wait3A_160] : memref<10112x16xf32, #tpu.memory_space<vmem_shared>> -> memref<128x16xf32, #tpu.memory_space<vmem_shared>>
      tpu.wait_dma2 semaphore(%run_scoped3A_141 : memref<!tpu.dma_semaphore, #tpu.memory_space<semaphore_mem>>) src(%dma_wait3A_161 : memref<128x16xf32, #tpu.memory_space<vmem_shared>>) dst(%dma_wait3A_159 : memref<128x16xf32, #tpu.memory_space<vmem>>)
      tpu.yield
    }) : () -> ()
    %add3A_107 = arith.constant 0 : i32
    %add3A_108 = arith.addi %mul3A_4, %add3A_107 : i32
    "tpu.region"() ({
      %run_scoped3A_141 = tpu.sem_alloc : memref<!tpu.dma_semaphore, #tpu.memory_space<semaphore_mem>>
      %dma_start3A_142 = arith.constant 0 : i32
      %dma_start3A_143 = arith.constant 0 : i32
      %dma_start3A_144 = tpu.memref_slice %arg18[%dma_start3A_142, %dma_start3A_143] : memref<128x16xf32, #tpu.memory_space<vmem>> -> memref<128x16xf32, #tpu.memory_space<vmem>>
      %dma_start3A_145 = arith.constant 0 : i32
      %dma_start3A_146 = tpu.memref_slice %arg8[%arg0, %add3A_108, %dma_start3A_145] : memref<2x10112x16xf32, #tpu.memory_space<hbm>> -> memref<1x128x16xf32, #tpu.memory_space<hbm>>
      %dma_start3A_147 = tpu.memref_squeeze %dma_start3A_146 : memref<1x128x16xf32, #tpu.memory_space<hbm>> -> memref<128x16xf32, #tpu.memory_space<hbm>>
      %dma_start3A_148 = arith.constant 0 : i32
      %dma_start3A_149 = tpu.memref_slice %arg8[%arg0, %add3A_108, %dma_start3A_148] : memref<2x10112x16xf32, #tpu.memory_space<hbm>> -> memref<1x128x16xf32, #tpu.memory_space<hbm>>
      %dma_start3A_150 = tpu.memref_squeeze %dma_start3A_149 : memref<1x128x16xf32, #tpu.memory_space<hbm>> -> memref<128x16xf32, #tpu.memory_space<hbm>>
      %dma_start3A_151 = arith.constant 0 : i32
      %dma_start3A_152 = arith.constant 0 : i32
      %dma_start3A_153 = tpu.memref_slice %arg18[%dma_start3A_151, %dma_start3A_152] : memref<128x16xf32, #tpu.memory_space<vmem>> -> memref<128x16xf32, #tpu.memory_space<vmem>>
      tpu.enqueue_dma source(%dma_start3A_153 : memref<128x16xf32, #tpu.memory_space<vmem>>) target(%dma_start3A_150 : memref<128x16xf32, #tpu.memory_space<hbm>>) target_semaphore(%run_scoped3A_141 : memref<!tpu.dma_semaphore, #tpu.memory_space<semaphore_mem>>)
      %dma_wait3A_154 = arith.constant 0 : i32
      %dma_wait3A_155 = arith.constant 0 : i32
      %dma_wait3A_156 = tpu.memref_slice %arg18[%dma_wait3A_154, %dma_wait3A_155] : memref<128x16xf32, #tpu.memory_space<vmem>> -> memref<128x16xf32, #tpu.memory_space<vmem>>
      %dma_wait3A_157 = arith.constant 0 : i32
      %dma_wait3A_158 = tpu.memref_slice %arg8[%arg0, %add3A_108, %dma_wait3A_157] : memref<2x10112x16xf32, #tpu.memory_space<hbm>> -> memref<1x128x16xf32, #tpu.memory_space<hbm>>
      %dma_wait3A_159 = tpu.memref_squeeze %dma_wait3A_158 : memref<1x128x16xf32, #tpu.memory_space<hbm>> -> memref<128x16xf32, #tpu.memory_space<hbm>>
      %dma_wait3A_160 = arith.constant 0 : i32
      %dma_wait3A_161 = tpu.memref_slice %arg8[%arg0, %add3A_108, %dma_wait3A_160] : memref<2x10112x16xf32, #tpu.memory_space<hbm>> -> memref<1x128x16xf32, #tpu.memory_space<hbm>>
      %dma_wait3A_162 = tpu.memref_squeeze %dma_wait3A_161 : memref<1x128x16xf32, #tpu.memory_space<hbm>> -> memref<128x16xf32, #tpu.memory_space<hbm>>
      %dma_wait3A_163 = arith.constant 0 : i32
      %dma_wait3A_164 = arith.constant 0 : i32
      %dma_wait3A_165 = tpu.memref_slice %arg18[%dma_wait3A_163, %dma_wait3A_164] : memref<128x16xf32, #tpu.memory_space<vmem>> -> memref<128x16xf32, #tpu.memory_space<vmem>>
      tpu.wait_dma2 semaphore(%run_scoped3A_141 : memref<!tpu.dma_semaphore, #tpu.memory_space<semaphore_mem>>) src(%dma_wait3A_165 : memref<128x16xf32, #tpu.memory_space<vmem>>) dst(%dma_wait3A_162 : memref<128x16xf32, #tpu.memory_space<hbm>>)
      tpu.yield
    }) : () -> ()
    %add3A_109 = arith.constant 128 : i32
    %add3A_110 = arith.addi %mul3A_4, %add3A_109 : i32
    "tpu.region"() ({
      %run_scoped3A_141 = tpu.sem_alloc : memref<!tpu.dma_semaphore, #tpu.memory_space<semaphore_mem>>
      %dma_start3A_142 = arith.constant 0 : i32
      %dma_start3A_143 = arith.constant 0 : i32
      %dma_start3A_144 = tpu.memref_slice %arg15[%dma_start3A_142, %dma_start3A_143] : memref<128x128xf32, #tpu.memory_space<vmem>> -> memref<128x128xf32, #tpu.memory_space<vmem>>
      %dma_start3A_145 = arith.constant 0 : i32
      %dma_start3A_146 = tpu.memref_slice %arg21[%add3A_110, %dma_start3A_145] : memref<10112x128xf32, #tpu.memory_space<vmem_shared>> -> memref<128x128xf32, #tpu.memory_space<vmem_shared>>
      %dma_start3A_147 = arith.constant 0 : i32
      %dma_start3A_148 = arith.constant 0 : i32
      %dma_start3A_149 = tpu.memref_slice %arg15[%dma_start3A_147, %dma_start3A_148] : memref<128x128xf32, #tpu.memory_space<vmem>> -> memref<128x128xf32, #tpu.memory_space<vmem>>
      %dma_start3A_150 = arith.constant 0 : i32
      %dma_start3A_151 = tpu.memref_slice %arg21[%add3A_110, %dma_start3A_150] : memref<10112x128xf32, #tpu.memory_space<vmem_shared>> -> memref<128x128xf32, #tpu.memory_space<vmem_shared>>
      tpu.enqueue_dma source(%dma_start3A_151 : memref<128x128xf32, #tpu.memory_space<vmem_shared>>) target(%dma_start3A_149 : memref<128x128xf32, #tpu.memory_space<vmem>>) target_semaphore(%run_scoped3A_141 : memref<!tpu.dma_semaphore, #tpu.memory_space<semaphore_mem>>)
      %dma_wait3A_152 = arith.constant 0 : i32
      %dma_wait3A_153 = arith.constant 0 : i32
      %dma_wait3A_154 = tpu.memref_slice %arg15[%dma_wait3A_152, %dma_wait3A_153] : memref<128x128xf32, #tpu.memory_space<vmem>> -> memref<128x128xf32, #tpu.memory_space<vmem>>
      %dma_wait3A_155 = arith.constant 0 : i32
      %dma_wait3A_156 = tpu.memref_slice %arg21[%add3A_110, %dma_wait3A_155] : memref<10112x128xf32, #tpu.memory_space<vmem_shared>> -> memref<128x128xf32, #tpu.memory_space<vmem_shared>>
      %dma_wait3A_157 = arith.constant 0 : i32
      %dma_wait3A_158 = arith.constant 0 : i32
      %dma_wait3A_159 = tpu.memref_slice %arg15[%dma_wait3A_157, %dma_wait3A_158] : memref<128x128xf32, #tpu.memory_space<vmem>> -> memref<128x128xf32, #tpu.memory_space<vmem>>
      %dma_wait3A_160 = arith.constant 0 : i32
      %dma_wait3A_161 = tpu.memref_slice %arg21[%add3A_110, %dma_wait3A_160] : memref<10112x128xf32, #tpu.memory_space<vmem_shared>> -> memref<128x128xf32, #tpu.memory_space<vmem_shared>>
      tpu.wait_dma2 semaphore(%run_scoped3A_141 : memref<!tpu.dma_semaphore, #tpu.memory_space<semaphore_mem>>) src(%dma_wait3A_161 : memref<128x128xf32, #tpu.memory_space<vmem_shared>>) dst(%dma_wait3A_159 : memref<128x128xf32, #tpu.memory_space<vmem>>)
      tpu.yield
    }) : () -> ()
    %add3A_111 = arith.constant 128 : i32
    %add3A_112 = arith.addi %mul3A_4, %add3A_111 : i32
    "tpu.region"() ({
      %run_scoped3A_141 = tpu.sem_alloc : memref<!tpu.dma_semaphore, #tpu.memory_space<semaphore_mem>>
      %dma_start3A_142 = arith.constant 0 : i32
      %dma_start3A_143 = arith.constant 0 : i32
      %dma_start3A_144 = tpu.memref_slice %arg15[%dma_start3A_142, %dma_start3A_143] : memref<128x128xf32, #tpu.memory_space<vmem>> -> memref<128x128xf32, #tpu.memory_space<vmem>>
      %dma_start3A_145 = arith.constant 0 : i32
      %dma_start3A_146 = tpu.memref_slice %arg7[%arg0, %add3A_112, %dma_start3A_145] : memref<2x10112x128xf32, #tpu.memory_space<hbm>> -> memref<1x128x128xf32, #tpu.memory_space<hbm>>
      %dma_start3A_147 = tpu.memref_squeeze %dma_start3A_146 : memref<1x128x128xf32, #tpu.memory_space<hbm>> -> memref<128x128xf32, #tpu.memory_space<hbm>>
      %dma_start3A_148 = arith.constant 0 : i32
      %dma_start3A_149 = tpu.memref_slice %arg7[%arg0, %add3A_112, %dma_start3A_148] : memref<2x10112x128xf32, #tpu.memory_space<hbm>> -> memref<1x128x128xf32, #tpu.memory_space<hbm>>
      %dma_start3A_150 = tpu.memref_squeeze %dma_start3A_149 : memref<1x128x128xf32, #tpu.memory_space<hbm>> -> memref<128x128xf32, #tpu.memory_space<hbm>>
      %dma_start3A_151 = arith.constant 0 : i32
      %dma_start3A_152 = arith.constant 0 : i32
      %dma_start3A_153 = tpu.memref_slice %arg15[%dma_start3A_151, %dma_start3A_152] : memref<128x128xf32, #tpu.memory_space<vmem>> -> memref<128x128xf32, #tpu.memory_space<vmem>>
      tpu.enqueue_dma source(%dma_start3A_153 : memref<128x128xf32, #tpu.memory_space<vmem>>) target(%dma_start3A_150 : memref<128x128xf32, #tpu.memory_space<hbm>>) target_semaphore(%run_scoped3A_141 : memref<!tpu.dma_semaphore, #tpu.memory_space<semaphore_mem>>)
      %dma_wait3A_154 = arith.constant 0 : i32
      %dma_wait3A_155 = arith.constant 0 : i32
      %dma_wait3A_156 = tpu.memref_slice %arg15[%dma_wait3A_154, %dma_wait3A_155] : memref<128x128xf32, #tpu.memory_space<vmem>> -> memref<128x128xf32, #tpu.memory_space<vmem>>
      %dma_wait3A_157 = arith.constant 0 : i32
      %dma_wait3A_158 = tpu.memref_slice %arg7[%arg0, %add3A_112, %dma_wait3A_157] : memref<2x10112x128xf32, #tpu.memory_space<hbm>> -> memref<1x128x128xf32, #tpu.memory_space<hbm>>
      %dma_wait3A_159 = tpu.memref_squeeze %dma_wait3A_158 : memref<1x128x128xf32, #tpu.memory_space<hbm>> -> memref<128x128xf32, #tpu.memory_space<hbm>>
      %dma_wait3A_160 = arith.constant 0 : i32
      %dma_wait3A_161 = tpu.memref_slice %arg7[%arg0, %add3A_112, %dma_wait3A_160] : memref<2x10112x128xf32, #tpu.memory_space<hbm>> -> memref<1x128x128xf32, #tpu.memory_space<hbm>>
      %dma_wait3A_162 = tpu.memref_squeeze %dma_wait3A_161 : memref<1x128x128xf32, #tpu.memory_space<hbm>> -> memref<128x128xf32, #tpu.memory_space<hbm>>
      %dma_wait3A_163 = arith.constant 0 : i32
      %dma_wait3A_164 = arith.constant 0 : i32
      %dma_wait3A_165 = tpu.memref_slice %arg15[%dma_wait3A_163, %dma_wait3A_164] : memref<128x128xf32, #tpu.memory_space<vmem>> -> memref<128x128xf32, #tpu.memory_space<vmem>>
      tpu.wait_dma2 semaphore(%run_scoped3A_141 : memref<!tpu.dma_semaphore, #tpu.memory_space<semaphore_mem>>) src(%dma_wait3A_165 : memref<128x128xf32, #tpu.memory_space<vmem>>) dst(%dma_wait3A_162 : memref<128x128xf32, #tpu.memory_space<hbm>>)
      tpu.yield
    }) : () -> ()
    %add3A_113 = arith.constant 128 : i32
    %add3A_114 = arith.addi %mul3A_4, %add3A_113 : i32
    "tpu.region"() ({
      %run_scoped3A_141 = tpu.sem_alloc : memref<!tpu.dma_semaphore, #tpu.memory_space<semaphore_mem>>
      %dma_start3A_142 = arith.constant 0 : i32
      %dma_start3A_143 = arith.constant 0 : i32
      %dma_start3A_144 = tpu.memref_slice %arg18[%dma_start3A_142, %dma_start3A_143] : memref<128x16xf32, #tpu.memory_space<vmem>> -> memref<128x16xf32, #tpu.memory_space<vmem>>
      %dma_start3A_145 = arith.constant 0 : i32
      %dma_start3A_146 = tpu.memref_slice %arg22[%add3A_114, %dma_start3A_145] : memref<10112x16xf32, #tpu.memory_space<vmem_shared>> -> memref<128x16xf32, #tpu.memory_space<vmem_shared>>
      %dma_start3A_147 = arith.constant 0 : i32
      %dma_start3A_148 = arith.constant 0 : i32
      %dma_start3A_149 = tpu.memref_slice %arg18[%dma_start3A_147, %dma_start3A_148] : memref<128x16xf32, #tpu.memory_space<vmem>> -> memref<128x16xf32, #tpu.memory_space<vmem>>
      %dma_start3A_150 = arith.constant 0 : i32
      %dma_start3A_151 = tpu.memref_slice %arg22[%add3A_114, %dma_start3A_150] : memref<10112x16xf32, #tpu.memory_space<vmem_shared>> -> memref<128x16xf32, #tpu.memory_space<vmem_shared>>
      tpu.enqueue_dma source(%dma_start3A_151 : memref<128x16xf32, #tpu.memory_space<vmem_shared>>) target(%dma_start3A_149 : memref<128x16xf32, #tpu.memory_space<vmem>>) target_semaphore(%run_scoped3A_141 : memref<!tpu.dma_semaphore, #tpu.memory_space<semaphore_mem>>)
      %dma_wait3A_152 = arith.constant 0 : i32
      %dma_wait3A_153 = arith.constant 0 : i32
      %dma_wait3A_154 = tpu.memref_slice %arg18[%dma_wait3A_152, %dma_wait3A_153] : memref<128x16xf32, #tpu.memory_space<vmem>> -> memref<128x16xf32, #tpu.memory_space<vmem>>
      %dma_wait3A_155 = arith.constant 0 : i32
      %dma_wait3A_156 = tpu.memref_slice %arg22[%add3A_114, %dma_wait3A_155] : memref<10112x16xf32, #tpu.memory_space<vmem_shared>> -> memref<128x16xf32, #tpu.memory_space<vmem_shared>>
      %dma_wait3A_157 = arith.constant 0 : i32
      %dma_wait3A_158 = arith.constant 0 : i32
      %dma_wait3A_159 = tpu.memref_slice %arg18[%dma_wait3A_157, %dma_wait3A_158] : memref<128x16xf32, #tpu.memory_space<vmem>> -> memref<128x16xf32, #tpu.memory_space<vmem>>
      %dma_wait3A_160 = arith.constant 0 : i32
      %dma_wait3A_161 = tpu.memref_slice %arg22[%add3A_114, %dma_wait3A_160] : memref<10112x16xf32, #tpu.memory_space<vmem_shared>> -> memref<128x16xf32, #tpu.memory_space<vmem_shared>>
      tpu.wait_dma2 semaphore(%run_scoped3A_141 : memref<!tpu.dma_semaphore, #tpu.memory_space<semaphore_mem>>) src(%dma_wait3A_161 : memref<128x16xf32, #tpu.memory_space<vmem_shared>>) dst(%dma_wait3A_159 : memref<128x16xf32, #tpu.memory_space<vmem>>)
      tpu.yield
    }) : () -> ()
    %add3A_115 = arith.constant 128 : i32
    %add3A_116 = arith.addi %mul3A_4, %add3A_115 : i32
    "tpu.region"() ({
      %run_scoped3A_141 = tpu.sem_alloc : memref<!tpu.dma_semaphore, #tpu.memory_space<semaphore_mem>>
      %dma_start3A_142 = arith.constant 0 : i32
      %dma_start3A_143 = arith.constant 0 : i32
      %dma_start3A_144 = tpu.memref_slice %arg18[%dma_start3A_142, %dma_start3A_143] : memref<128x16xf32, #tpu.memory_space<vmem>> -> memref<128x16xf32, #tpu.memory_space<vmem>>
      %dma_start3A_145 = arith.constant 0 : i32
      %dma_start3A_146 = tpu.memref_slice %arg8[%arg0, %add3A_116, %dma_start3A_145] : memref<2x10112x16xf32, #tpu.memory_space<hbm>> -> memref<1x128x16xf32, #tpu.memory_space<hbm>>
      %dma_start3A_147 = tpu.memref_squeeze %dma_start3A_146 : memref<1x128x16xf32, #tpu.memory_space<hbm>> -> memref<128x16xf32, #tpu.memory_space<hbm>>
      %dma_start3A_148 = arith.constant 0 : i32
      %dma_start3A_149 = tpu.memref_slice %arg8[%arg0, %add3A_116, %dma_start3A_148] : memref<2x10112x16xf32, #tpu.memory_space<hbm>> -> memref<1x128x16xf32, #tpu.memory_space<hbm>>
      %dma_start3A_150 = tpu.memref_squeeze %dma_start3A_149 : memref<1x128x16xf32, #tpu.memory_space<hbm>> -> memref<128x16xf32, #tpu.memory_space<hbm>>
      %dma_start3A_151 = arith.constant 0 : i32
      %dma_start3A_152 = arith.constant 0 : i32
      %dma_start3A_153 = tpu.memref_slice %arg18[%dma_start3A_151, %dma_start3A_152] : memref<128x16xf32, #tpu.memory_space<vmem>> -> memref<128x16xf32, #tpu.memory_space<vmem>>
      tpu.enqueue_dma source(%dma_start3A_153 : memref<128x16xf32, #tpu.memory_space<vmem>>) target(%dma_start3A_150 : memref<128x16xf32, #tpu.memory_space<hbm>>) target_semaphore(%run_scoped3A_141 : memref<!tpu.dma_semaphore, #tpu.memory_space<semaphore_mem>>)
      %dma_wait3A_154 = arith.constant 0 : i32
      %dma_wait3A_155 = arith.constant 0 : i32
      %dma_wait3A_156 = tpu.memref_slice %arg18[%dma_wait3A_154, %dma_wait3A_155] : memref<128x16xf32, #tpu.memory_space<vmem>> -> memref<128x16xf32, #tpu.memory_space<vmem>>
      %dma_wait3A_157 = arith.constant 0 : i32
      %dma_wait3A_158 = tpu.memref_slice %arg8[%arg0, %add3A_116, %dma_wait3A_157] : memref<2x10112x16xf32, #tpu.memory_space<hbm>> -> memref<1x128x16xf32, #tpu.memory_space<hbm>>
      %dma_wait3A_159 = tpu.memref_squeeze %dma_wait3A_158 : memref<1x128x16xf32, #tpu.memory_space<hbm>> -> memref<128x16xf32, #tpu.memory_space<hbm>>
      %dma_wait3A_160 = arith.constant 0 : i32
      %dma_wait3A_161 = tpu.memref_slice %arg8[%arg0, %add3A_116, %dma_wait3A_160] : memref<2x10112x16xf32, #tpu.memory_space<hbm>> -> memref<1x128x16xf32, #tpu.memory_space<hbm>>
      %dma_wait3A_162 = tpu.memref_squeeze %dma_wait3A_161 : memref<1x128x16xf32, #tpu.memory_space<hbm>> -> memref<128x16xf32, #tpu.memory_space<hbm>>
      %dma_wait3A_163 = arith.constant 0 : i32
      %dma_wait3A_164 = arith.constant 0 : i32
      %dma_wait3A_165 = tpu.memref_slice %arg18[%dma_wait3A_163, %dma_wait3A_164] : memref<128x16xf32, #tpu.memory_space<vmem>> -> memref<128x16xf32, #tpu.memory_space<vmem>>
      tpu.wait_dma2 semaphore(%run_scoped3A_141 : memref<!tpu.dma_semaphore, #tpu.memory_space<semaphore_mem>>) src(%dma_wait3A_165 : memref<128x16xf32, #tpu.memory_space<vmem>>) dst(%dma_wait3A_162 : memref<128x16xf32, #tpu.memory_space<hbm>>)
      tpu.yield
    }) : () -> ()
    %add3A_117 = arith.constant 256 : i32
    %add3A_118 = arith.addi %mul3A_4, %add3A_117 : i32
    "tpu.region"() ({
      %run_scoped3A_141 = tpu.sem_alloc : memref<!tpu.dma_semaphore, #tpu.memory_space<semaphore_mem>>
      %dma_start3A_142 = arith.constant 0 : i32
      %dma_start3A_143 = arith.constant 0 : i32
      %dma_start3A_144 = tpu.memref_slice %arg15[%dma_start3A_142, %dma_start3A_143] : memref<128x128xf32, #tpu.memory_space<vmem>> -> memref<128x128xf32, #tpu.memory_space<vmem>>
      %dma_start3A_145 = arith.constant 0 : i32
      %dma_start3A_146 = tpu.memref_slice %arg21[%add3A_118, %dma_start3A_145] : memref<10112x128xf32, #tpu.memory_space<vmem_shared>> -> memref<128x128xf32, #tpu.memory_space<vmem_shared>>
      %dma_start3A_147 = arith.constant 0 : i32
      %dma_start3A_148 = arith.constant 0 : i32
      %dma_start3A_149 = tpu.memref_slice %arg15[%dma_start3A_147, %dma_start3A_148] : memref<128x128xf32, #tpu.memory_space<vmem>> -> memref<128x128xf32, #tpu.memory_space<vmem>>
      %dma_start3A_150 = arith.constant 0 : i32
      %dma_start3A_151 = tpu.memref_slice %arg21[%add3A_118, %dma_start3A_150] : memref<10112x128xf32, #tpu.memory_space<vmem_shared>> -> memref<128x128xf32, #tpu.memory_space<vmem_shared>>
      tpu.enqueue_dma source(%dma_start3A_151 : memref<128x128xf32, #tpu.memory_space<vmem_shared>>) target(%dma_start3A_149 : memref<128x128xf32, #tpu.memory_space<vmem>>) target_semaphore(%run_scoped3A_141 : memref<!tpu.dma_semaphore, #tpu.memory_space<semaphore_mem>>)
      %dma_wait3A_152 = arith.constant 0 : i32
      %dma_wait3A_153 = arith.constant 0 : i32
      %dma_wait3A_154 = tpu.memref_slice %arg15[%dma_wait3A_152, %dma_wait3A_153] : memref<128x128xf32, #tpu.memory_space<vmem>> -> memref<128x128xf32, #tpu.memory_space<vmem>>
      %dma_wait3A_155 = arith.constant 0 : i32
      %dma_wait3A_156 = tpu.memref_slice %arg21[%add3A_118, %dma_wait3A_155] : memref<10112x128xf32, #tpu.memory_space<vmem_shared>> -> memref<128x128xf32, #tpu.memory_space<vmem_shared>>
      %dma_wait3A_157 = arith.constant 0 : i32
      %dma_wait3A_158 = arith.constant 0 : i32
      %dma_wait3A_159 = tpu.memref_slice %arg15[%dma_wait3A_157, %dma_wait3A_158] : memref<128x128xf32, #tpu.memory_space<vmem>> -> memref<128x128xf32, #tpu.memory_space<vmem>>
      %dma_wait3A_160 = arith.constant 0 : i32
      %dma_wait3A_161 = tpu.memref_slice %arg21[%add3A_118, %dma_wait3A_160] : memref<10112x128xf32, #tpu.memory_space<vmem_shared>> -> memref<128x128xf32, #tpu.memory_space<vmem_shared>>
      tpu.wait_dma2 semaphore(%run_scoped3A_141 : memref<!tpu.dma_semaphore, #tpu.memory_space<semaphore_mem>>) src(%dma_wait3A_161 : memref<128x128xf32, #tpu.memory_space<vmem_shared>>) dst(%dma_wait3A_159 : memref<128x128xf32, #tpu.memory_space<vmem>>)
      tpu.yield
    }) : () -> ()
    %add3A_119 = arith.constant 256 : i32
    %add3A_120 = arith.addi %mul3A_4, %add3A_119 : i32
    "tpu.region"() ({
      %run_scoped3A_141 = tpu.sem_alloc : memref<!tpu.dma_semaphore, #tpu.memory_space<semaphore_mem>>
      %dma_start3A_142 = arith.constant 0 : i32
      %dma_start3A_143 = arith.constant 0 : i32
      %dma_start3A_144 = tpu.memref_slice %arg15[%dma_start3A_142, %dma_start3A_143] : memref<128x128xf32, #tpu.memory_space<vmem>> -> memref<128x128xf32, #tpu.memory_space<vmem>>
      %dma_start3A_145 = arith.constant 0 : i32
      %dma_start3A_146 = tpu.memref_slice %arg7[%arg0, %add3A_120, %dma_start3A_145] : memref<2x10112x128xf32, #tpu.memory_space<hbm>> -> memref<1x128x128xf32, #tpu.memory_space<hbm>>
      %dma_start3A_147 = tpu.memref_squeeze %dma_start3A_146 : memref<1x128x128xf32, #tpu.memory_space<hbm>> -> memref<128x128xf32, #tpu.memory_space<hbm>>
      %dma_start3A_148 = arith.constant 0 : i32
      %dma_start3A_149 = tpu.memref_slice %arg7[%arg0, %add3A_120, %dma_start3A_148] : memref<2x10112x128xf32, #tpu.memory_space<hbm>> -> memref<1x128x128xf32, #tpu.memory_space<hbm>>
      %dma_start3A_150 = tpu.memref_squeeze %dma_start3A_149 : memref<1x128x128xf32, #tpu.memory_space<hbm>> -> memref<128x128xf32, #tpu.memory_space<hbm>>
      %dma_start3A_151 = arith.constant 0 : i32
      %dma_start3A_152 = arith.constant 0 : i32
      %dma_start3A_153 = tpu.memref_slice %arg15[%dma_start3A_151, %dma_start3A_152] : memref<128x128xf32, #tpu.memory_space<vmem>> -> memref<128x128xf32, #tpu.memory_space<vmem>>
      tpu.enqueue_dma source(%dma_start3A_153 : memref<128x128xf32, #tpu.memory_space<vmem>>) target(%dma_start3A_150 : memref<128x128xf32, #tpu.memory_space<hbm>>) target_semaphore(%run_scoped3A_141 : memref<!tpu.dma_semaphore, #tpu.memory_space<semaphore_mem>>)
      %dma_wait3A_154 = arith.constant 0 : i32
      %dma_wait3A_155 = arith.constant 0 : i32
      %dma_wait3A_156 = tpu.memref_slice %arg15[%dma_wait3A_154, %dma_wait3A_155] : memref<128x128xf32, #tpu.memory_space<vmem>> -> memref<128x128xf32, #tpu.memory_space<vmem>>
      %dma_wait3A_157 = arith.constant 0 : i32
      %dma_wait3A_158 = tpu.memref_slice %arg7[%arg0, %add3A_120, %dma_wait3A_157] : memref<2x10112x128xf32, #tpu.memory_space<hbm>> -> memref<1x128x128xf32, #tpu.memory_space<hbm>>
      %dma_wait3A_159 = tpu.memref_squeeze %dma_wait3A_158 : memref<1x128x128xf32, #tpu.memory_space<hbm>> -> memref<128x128xf32, #tpu.memory_space<hbm>>
      %dma_wait3A_160 = arith.constant 0 : i32
      %dma_wait3A_161 = tpu.memref_slice %arg7[%arg0, %add3A_120, %dma_wait3A_160] : memref<2x10112x128xf32, #tpu.memory_space<hbm>> -> memref<1x128x128xf32, #tpu.memory_space<hbm>>
      %dma_wait3A_162 = tpu.memref_squeeze %dma_wait3A_161 : memref<1x128x128xf32, #tpu.memory_space<hbm>> -> memref<128x128xf32, #tpu.memory_space<hbm>>
      %dma_wait3A_163 = arith.constant 0 : i32
      %dma_wait3A_164 = arith.constant 0 : i32
      %dma_wait3A_165 = tpu.memref_slice %arg15[%dma_wait3A_163, %dma_wait3A_164] : memref<128x128xf32, #tpu.memory_space<vmem>> -> memref<128x128xf32, #tpu.memory_space<vmem>>
      tpu.wait_dma2 semaphore(%run_scoped3A_141 : memref<!tpu.dma_semaphore, #tpu.memory_space<semaphore_mem>>) src(%dma_wait3A_165 : memref<128x128xf32, #tpu.memory_space<vmem>>) dst(%dma_wait3A_162 : memref<128x128xf32, #tpu.memory_space<hbm>>)
      tpu.yield
    }) : () -> ()
    %add3A_121 = arith.constant 256 : i32
    %add3A_122 = arith.addi %mul3A_4, %add3A_121 : i32
    "tpu.region"() ({
      %run_scoped3A_141 = tpu.sem_alloc : memref<!tpu.dma_semaphore, #tpu.memory_space<semaphore_mem>>
      %dma_start3A_142 = arith.constant 0 : i32
      %dma_start3A_143 = arith.constant 0 : i32
      %dma_start3A_144 = tpu.memref_slice %arg18[%dma_start3A_142, %dma_start3A_143] : memref<128x16xf32, #tpu.memory_space<vmem>> -> memref<128x16xf32, #tpu.memory_space<vmem>>
      %dma_start3A_145 = arith.constant 0 : i32
      %dma_start3A_146 = tpu.memref_slice %arg22[%add3A_122, %dma_start3A_145] : memref<10112x16xf32, #tpu.memory_space<vmem_shared>> -> memref<128x16xf32, #tpu.memory_space<vmem_shared>>
      %dma_start3A_147 = arith.constant 0 : i32
      %dma_start3A_148 = arith.constant 0 : i32
      %dma_start3A_149 = tpu.memref_slice %arg18[%dma_start3A_147, %dma_start3A_148] : memref<128x16xf32, #tpu.memory_space<vmem>> -> memref<128x16xf32, #tpu.memory_space<vmem>>
      %dma_start3A_150 = arith.constant 0 : i32
      %dma_start3A_151 = tpu.memref_slice %arg22[%add3A_122, %dma_start3A_150] : memref<10112x16xf32, #tpu.memory_space<vmem_shared>> -> memref<128x16xf32, #tpu.memory_space<vmem_shared>>
      tpu.enqueue_dma source(%dma_start3A_151 : memref<128x16xf32, #tpu.memory_space<vmem_shared>>) target(%dma_start3A_149 : memref<128x16xf32, #tpu.memory_space<vmem>>) target_semaphore(%run_scoped3A_141 : memref<!tpu.dma_semaphore, #tpu.memory_space<semaphore_mem>>)
      %dma_wait3A_152 = arith.constant 0 : i32
      %dma_wait3A_153 = arith.constant 0 : i32
      %dma_wait3A_154 = tpu.memref_slice %arg18[%dma_wait3A_152, %dma_wait3A_153] : memref<128x16xf32, #tpu.memory_space<vmem>> -> memref<128x16xf32, #tpu.memory_space<vmem>>
      %dma_wait3A_155 = arith.constant 0 : i32
      %dma_wait3A_156 = tpu.memref_slice %arg22[%add3A_122, %dma_wait3A_155] : memref<10112x16xf32, #tpu.memory_space<vmem_shared>> -> memref<128x16xf32, #tpu.memory_space<vmem_shared>>
      %dma_wait3A_157 = arith.constant 0 : i32
      %dma_wait3A_158 = arith.constant 0 : i32
      %dma_wait3A_159 = tpu.memref_slice %arg18[%dma_wait3A_157, %dma_wait3A_158] : memref<128x16xf32, #tpu.memory_space<vmem>> -> memref<128x16xf32, #tpu.memory_space<vmem>>
      %dma_wait3A_160 = arith.constant 0 : i32
      %dma_wait3A_161 = tpu.memref_slice %arg22[%add3A_122, %dma_wait3A_160] : memref<10112x16xf32, #tpu.memory_space<vmem_shared>> -> memref<128x16xf32, #tpu.memory_space<vmem_shared>>
      tpu.wait_dma2 semaphore(%run_scoped3A_141 : memref<!tpu.dma_semaphore, #tpu.memory_space<semaphore_mem>>) src(%dma_wait3A_161 : memref<128x16xf32, #tpu.memory_space<vmem_shared>>) dst(%dma_wait3A_159 : memref<128x16xf32, #tpu.memory_space<vmem>>)
      tpu.yield
    }) : () -> ()
    %add3A_123 = arith.constant 256 : i32
    %add3A_124 = arith.addi %mul3A_4, %add3A_123 : i32
    "tpu.region"() ({
      %run_scoped3A_141 = tpu.sem_alloc : memref<!tpu.dma_semaphore, #tpu.memory_space<semaphore_mem>>
      %dma_start3A_142 = arith.constant 0 : i32
      %dma_start3A_143 = arith.constant 0 : i32
      %dma_start3A_144 = tpu.memref_slice %arg18[%dma_start3A_142, %dma_start3A_143] : memref<128x16xf32, #tpu.memory_space<vmem>> -> memref<128x16xf32, #tpu.memory_space<vmem>>
      %dma_start3A_145 = arith.constant 0 : i32
      %dma_start3A_146 = tpu.memref_slice %arg8[%arg0, %add3A_124, %dma_start3A_145] : memref<2x10112x16xf32, #tpu.memory_space<hbm>> -> memref<1x128x16xf32, #tpu.memory_space<hbm>>
      %dma_start3A_147 = tpu.memref_squeeze %dma_start3A_146 : memref<1x128x16xf32, #tpu.memory_space<hbm>> -> memref<128x16xf32, #tpu.memory_space<hbm>>
      %dma_start3A_148 = arith.constant 0 : i32
      %dma_start3A_149 = tpu.memref_slice %arg8[%arg0, %add3A_124, %dma_start3A_148] : memref<2x10112x16xf32, #tpu.memory_space<hbm>> -> memref<1x128x16xf32, #tpu.memory_space<hbm>>
      %dma_start3A_150 = tpu.memref_squeeze %dma_start3A_149 : memref<1x128x16xf32, #tpu.memory_space<hbm>> -> memref<128x16xf32, #tpu.memory_space<hbm>>
      %dma_start3A_151 = arith.constant 0 : i32
      %dma_start3A_152 = arith.constant 0 : i32
      %dma_start3A_153 = tpu.memref_slice %arg18[%dma_start3A_151, %dma_start3A_152] : memref<128x16xf32, #tpu.memory_space<vmem>> -> memref<128x16xf32, #tpu.memory_space<vmem>>
      tpu.enqueue_dma source(%dma_start3A_153 : memref<128x16xf32, #tpu.memory_space<vmem>>) target(%dma_start3A_150 : memref<128x16xf32, #tpu.memory_space<hbm>>) target_semaphore(%run_scoped3A_141 : memref<!tpu.dma_semaphore, #tpu.memory_space<semaphore_mem>>)
      %dma_wait3A_154 = arith.constant 0 : i32
      %dma_wait3A_155 = arith.constant 0 : i32
      %dma_wait3A_156 = tpu.memref_slice %arg18[%dma_wait3A_154, %dma_wait3A_155] : memref<128x16xf32, #tpu.memory_space<vmem>> -> memref<128x16xf32, #tpu.memory_space<vmem>>
      %dma_wait3A_157 = arith.constant 0 : i32
      %dma_wait3A_158 = tpu.memref_slice %arg8[%arg0, %add3A_124, %dma_wait3A_157] : memref<2x10112x16xf32, #tpu.memory_space<hbm>> -> memref<1x128x16xf32, #tpu.memory_space<hbm>>
      %dma_wait3A_159 = tpu.memref_squeeze %dma_wait3A_158 : memref<1x128x16xf32, #tpu.memory_space<hbm>> -> memref<128x16xf32, #tpu.memory_space<hbm>>
      %dma_wait3A_160 = arith.constant 0 : i32
      %dma_wait3A_161 = tpu.memref_slice %arg8[%arg0, %add3A_124, %dma_wait3A_160] : memref<2x10112x16xf32, #tpu.memory_space<hbm>> -> memref<1x128x16xf32, #tpu.memory_space<hbm>>
      %dma_wait3A_162 = tpu.memref_squeeze %dma_wait3A_161 : memref<1x128x16xf32, #tpu.memory_space<hbm>> -> memref<128x16xf32, #tpu.memory_space<hbm>>
      %dma_wait3A_163 = arith.constant 0 : i32
      %dma_wait3A_164 = arith.constant 0 : i32
      %dma_wait3A_165 = tpu.memref_slice %arg18[%dma_wait3A_163, %dma_wait3A_164] : memref<128x16xf32, #tpu.memory_space<vmem>> -> memref<128x16xf32, #tpu.memory_space<vmem>>
      tpu.wait_dma2 semaphore(%run_scoped3A_141 : memref<!tpu.dma_semaphore, #tpu.memory_space<semaphore_mem>>) src(%dma_wait3A_165 : memref<128x16xf32, #tpu.memory_space<vmem>>) dst(%dma_wait3A_162 : memref<128x16xf32, #tpu.memory_space<hbm>>)
      tpu.yield
    }) : () -> ()
    %add3A_125 = arith.constant 384 : i32
    %add3A_126 = arith.addi %mul3A_4, %add3A_125 : i32
    "tpu.region"() ({
      %run_scoped3A_141 = tpu.sem_alloc : memref<!tpu.dma_semaphore, #tpu.memory_space<semaphore_mem>>
      %dma_start3A_142 = arith.constant 0 : i32
      %dma_start3A_143 = arith.constant 0 : i32
      %dma_start3A_144 = tpu.memref_slice %arg15[%dma_start3A_142, %dma_start3A_143] : memref<128x128xf32, #tpu.memory_space<vmem>> -> memref<128x128xf32, #tpu.memory_space<vmem>>
      %dma_start3A_145 = arith.constant 0 : i32
      %dma_start3A_146 = tpu.memref_slice %arg21[%add3A_126, %dma_start3A_145] : memref<10112x128xf32, #tpu.memory_space<vmem_shared>> -> memref<128x128xf32, #tpu.memory_space<vmem_shared>>
      %dma_start3A_147 = arith.constant 0 : i32
      %dma_start3A_148 = arith.constant 0 : i32
      %dma_start3A_149 = tpu.memref_slice %arg15[%dma_start3A_147, %dma_start3A_148] : memref<128x128xf32, #tpu.memory_space<vmem>> -> memref<128x128xf32, #tpu.memory_space<vmem>>
      %dma_start3A_150 = arith.constant 0 : i32
      %dma_start3A_151 = tpu.memref_slice %arg21[%add3A_126, %dma_start3A_150] : memref<10112x128xf32, #tpu.memory_space<vmem_shared>> -> memref<128x128xf32, #tpu.memory_space<vmem_shared>>
      tpu.enqueue_dma source(%dma_start3A_151 : memref<128x128xf32, #tpu.memory_space<vmem_shared>>) target(%dma_start3A_149 : memref<128x128xf32, #tpu.memory_space<vmem>>) target_semaphore(%run_scoped3A_141 : memref<!tpu.dma_semaphore, #tpu.memory_space<semaphore_mem>>)
      %dma_wait3A_152 = arith.constant 0 : i32
      %dma_wait3A_153 = arith.constant 0 : i32
      %dma_wait3A_154 = tpu.memref_slice %arg15[%dma_wait3A_152, %dma_wait3A_153] : memref<128x128xf32, #tpu.memory_space<vmem>> -> memref<128x128xf32, #tpu.memory_space<vmem>>
      %dma_wait3A_155 = arith.constant 0 : i32
      %dma_wait3A_156 = tpu.memref_slice %arg21[%add3A_126, %dma_wait3A_155] : memref<10112x128xf32, #tpu.memory_space<vmem_shared>> -> memref<128x128xf32, #tpu.memory_space<vmem_shared>>
      %dma_wait3A_157 = arith.constant 0 : i32
      %dma_wait3A_158 = arith.constant 0 : i32
      %dma_wait3A_159 = tpu.memref_slice %arg15[%dma_wait3A_157, %dma_wait3A_158] : memref<128x128xf32, #tpu.memory_space<vmem>> -> memref<128x128xf32, #tpu.memory_space<vmem>>
      %dma_wait3A_160 = arith.constant 0 : i32
      %dma_wait3A_161 = tpu.memref_slice %arg21[%add3A_126, %dma_wait3A_160] : memref<10112x128xf32, #tpu.memory_space<vmem_shared>> -> memref<128x128xf32, #tpu.memory_space<vmem_shared>>
      tpu.wait_dma2 semaphore(%run_scoped3A_141 : memref<!tpu.dma_semaphore, #tpu.memory_space<semaphore_mem>>) src(%dma_wait3A_161 : memref<128x128xf32, #tpu.memory_space<vmem_shared>>) dst(%dma_wait3A_159 : memref<128x128xf32, #tpu.memory_space<vmem>>)
      tpu.yield
    }) : () -> ()
    %add3A_127 = arith.constant 384 : i32
    %add3A_128 = arith.addi %mul3A_4, %add3A_127 : i32
    "tpu.region"() ({
      %run_scoped3A_141 = tpu.sem_alloc : memref<!tpu.dma_semaphore, #tpu.memory_space<semaphore_mem>>
      %dma_start3A_142 = arith.constant 0 : i32
      %dma_start3A_143 = arith.constant 0 : i32
      %dma_start3A_144 = tpu.memref_slice %arg15[%dma_start3A_142, %dma_start3A_143] : memref<128x128xf32, #tpu.memory_space<vmem>> -> memref<128x128xf32, #tpu.memory_space<vmem>>
      %dma_start3A_145 = arith.constant 0 : i32
      %dma_start3A_146 = tpu.memref_slice %arg7[%arg0, %add3A_128, %dma_start3A_145] : memref<2x10112x128xf32, #tpu.memory_space<hbm>> -> memref<1x128x128xf32, #tpu.memory_space<hbm>>
      %dma_start3A_147 = tpu.memref_squeeze %dma_start3A_146 : memref<1x128x128xf32, #tpu.memory_space<hbm>> -> memref<128x128xf32, #tpu.memory_space<hbm>>
      %dma_start3A_148 = arith.constant 0 : i32
      %dma_start3A_149 = tpu.memref_slice %arg7[%arg0, %add3A_128, %dma_start3A_148] : memref<2x10112x128xf32, #tpu.memory_space<hbm>> -> memref<1x128x128xf32, #tpu.memory_space<hbm>>
      %dma_start3A_150 = tpu.memref_squeeze %dma_start3A_149 : memref<1x128x128xf32, #tpu.memory_space<hbm>> -> memref<128x128xf32, #tpu.memory_space<hbm>>
      %dma_start3A_151 = arith.constant 0 : i32
      %dma_start3A_152 = arith.constant 0 : i32
      %dma_start3A_153 = tpu.memref_slice %arg15[%dma_start3A_151, %dma_start3A_152] : memref<128x128xf32, #tpu.memory_space<vmem>> -> memref<128x128xf32, #tpu.memory_space<vmem>>
      tpu.enqueue_dma source(%dma_start3A_153 : memref<128x128xf32, #tpu.memory_space<vmem>>) target(%dma_start3A_150 : memref<128x128xf32, #tpu.memory_space<hbm>>) target_semaphore(%run_scoped3A_141 : memref<!tpu.dma_semaphore, #tpu.memory_space<semaphore_mem>>)
      %dma_wait3A_154 = arith.constant 0 : i32
      %dma_wait3A_155 = arith.constant 0 : i32
      %dma_wait3A_156 = tpu.memref_slice %arg15[%dma_wait3A_154, %dma_wait3A_155] : memref<128x128xf32, #tpu.memory_space<vmem>> -> memref<128x128xf32, #tpu.memory_space<vmem>>
      %dma_wait3A_157 = arith.constant 0 : i32
      %dma_wait3A_158 = tpu.memref_slice %arg7[%arg0, %add3A_128, %dma_wait3A_157] : memref<2x10112x128xf32, #tpu.memory_space<hbm>> -> memref<1x128x128xf32, #tpu.memory_space<hbm>>
      %dma_wait3A_159 = tpu.memref_squeeze %dma_wait3A_158 : memref<1x128x128xf32, #tpu.memory_space<hbm>> -> memref<128x128xf32, #tpu.memory_space<hbm>>
      %dma_wait3A_160 = arith.constant 0 : i32
      %dma_wait3A_161 = tpu.memref_slice %arg7[%arg0, %add3A_128, %dma_wait3A_160] : memref<2x10112x128xf32, #tpu.memory_space<hbm>> -> memref<1x128x128xf32, #tpu.memory_space<hbm>>
      %dma_wait3A_162 = tpu.memref_squeeze %dma_wait3A_161 : memref<1x128x128xf32, #tpu.memory_space<hbm>> -> memref<128x128xf32, #tpu.memory_space<hbm>>
      %dma_wait3A_163 = arith.constant 0 : i32
      %dma_wait3A_164 = arith.constant 0 : i32
      %dma_wait3A_165 = tpu.memref_slice %arg15[%dma_wait3A_163, %dma_wait3A_164] : memref<128x128xf32, #tpu.memory_space<vmem>> -> memref<128x128xf32, #tpu.memory_space<vmem>>
      tpu.wait_dma2 semaphore(%run_scoped3A_141 : memref<!tpu.dma_semaphore, #tpu.memory_space<semaphore_mem>>) src(%dma_wait3A_165 : memref<128x128xf32, #tpu.memory_space<vmem>>) dst(%dma_wait3A_162 : memref<128x128xf32, #tpu.memory_space<hbm>>)
      tpu.yield
    }) : () -> ()
    %add3A_129 = arith.constant 384 : i32
    %add3A_130 = arith.addi %mul3A_4, %add3A_129 : i32
    "tpu.region"() ({
      %run_scoped3A_141 = tpu.sem_alloc : memref<!tpu.dma_semaphore, #tpu.memory_space<semaphore_mem>>
      %dma_start3A_142 = arith.constant 0 : i32
      %dma_start3A_143 = arith.constant 0 : i32
      %dma_start3A_144 = tpu.memref_slice %arg18[%dma_start3A_142, %dma_start3A_143] : memref<128x16xf32, #tpu.memory_space<vmem>> -> memref<128x16xf32, #tpu.memory_space<vmem>>
      %dma_start3A_145 = arith.constant 0 : i32
      %dma_start3A_146 = tpu.memref_slice %arg22[%add3A_130, %dma_start3A_145] : memref<10112x16xf32, #tpu.memory_space<vmem_shared>> -> memref<128x16xf32, #tpu.memory_space<vmem_shared>>
      %dma_start3A_147 = arith.constant 0 : i32
      %dma_start3A_148 = arith.constant 0 : i32
      %dma_start3A_149 = tpu.memref_slice %arg18[%dma_start3A_147, %dma_start3A_148] : memref<128x16xf32, #tpu.memory_space<vmem>> -> memref<128x16xf32, #tpu.memory_space<vmem>>
      %dma_start3A_150 = arith.constant 0 : i32
      %dma_start3A_151 = tpu.memref_slice %arg22[%add3A_130, %dma_start3A_150] : memref<10112x16xf32, #tpu.memory_space<vmem_shared>> -> memref<128x16xf32, #tpu.memory_space<vmem_shared>>
      tpu.enqueue_dma source(%dma_start3A_151 : memref<128x16xf32, #tpu.memory_space<vmem_shared>>) target(%dma_start3A_149 : memref<128x16xf32, #tpu.memory_space<vmem>>) target_semaphore(%run_scoped3A_141 : memref<!tpu.dma_semaphore, #tpu.memory_space<semaphore_mem>>)
      %dma_wait3A_152 = arith.constant 0 : i32
      %dma_wait3A_153 = arith.constant 0 : i32
      %dma_wait3A_154 = tpu.memref_slice %arg18[%dma_wait3A_152, %dma_wait3A_153] : memref<128x16xf32, #tpu.memory_space<vmem>> -> memref<128x16xf32, #tpu.memory_space<vmem>>
      %dma_wait3A_155 = arith.constant 0 : i32
      %dma_wait3A_156 = tpu.memref_slice %arg22[%add3A_130, %dma_wait3A_155] : memref<10112x16xf32, #tpu.memory_space<vmem_shared>> -> memref<128x16xf32, #tpu.memory_space<vmem_shared>>
      %dma_wait3A_157 = arith.constant 0 : i32
      %dma_wait3A_158 = arith.constant 0 : i32
      %dma_wait3A_159 = tpu.memref_slice %arg18[%dma_wait3A_157, %dma_wait3A_158] : memref<128x16xf32, #tpu.memory_space<vmem>> -> memref<128x16xf32, #tpu.memory_space<vmem>>
      %dma_wait3A_160 = arith.constant 0 : i32
      %dma_wait3A_161 = tpu.memref_slice %arg22[%add3A_130, %dma_wait3A_160] : memref<10112x16xf32, #tpu.memory_space<vmem_shared>> -> memref<128x16xf32, #tpu.memory_space<vmem_shared>>
      tpu.wait_dma2 semaphore(%run_scoped3A_141 : memref<!tpu.dma_semaphore, #tpu.memory_space<semaphore_mem>>) src(%dma_wait3A_161 : memref<128x16xf32, #tpu.memory_space<vmem_shared>>) dst(%dma_wait3A_159 : memref<128x16xf32, #tpu.memory_space<vmem>>)
      tpu.yield
    }) : () -> ()
    %add3A_131 = arith.constant 384 : i32
    %add3A_132 = arith.addi %mul3A_4, %add3A_131 : i32
    "tpu.region"() ({
      %run_scoped3A_141 = tpu.sem_alloc : memref<!tpu.dma_semaphore, #tpu.memory_space<semaphore_mem>>
      %dma_start3A_142 = arith.constant 0 : i32
      %dma_start3A_143 = arith.constant 0 : i32
      %dma_start3A_144 = tpu.memref_slice %arg18[%dma_start3A_142, %dma_start3A_143] : memref<128x16xf32, #tpu.memory_space<vmem>> -> memref<128x16xf32, #tpu.memory_space<vmem>>
      %dma_start3A_145 = arith.constant 0 : i32
      %dma_start3A_146 = tpu.memref_slice %arg8[%arg0, %add3A_132, %dma_start3A_145] : memref<2x10112x16xf32, #tpu.memory_space<hbm>> -> memref<1x128x16xf32, #tpu.memory_space<hbm>>
      %dma_start3A_147 = tpu.memref_squeeze %dma_start3A_146 : memref<1x128x16xf32, #tpu.memory_space<hbm>> -> memref<128x16xf32, #tpu.memory_space<hbm>>
      %dma_start3A_148 = arith.constant 0 : i32
      %dma_start3A_149 = tpu.memref_slice %arg8[%arg0, %add3A_132, %dma_start3A_148] : memref<2x10112x16xf32, #tpu.memory_space<hbm>> -> memref<1x128x16xf32, #tpu.memory_space<hbm>>
      %dma_start3A_150 = tpu.memref_squeeze %dma_start3A_149 : memref<1x128x16xf32, #tpu.memory_space<hbm>> -> memref<128x16xf32, #tpu.memory_space<hbm>>
      %dma_start3A_151 = arith.constant 0 : i32
      %dma_start3A_152 = arith.constant 0 : i32
      %dma_start3A_153 = tpu.memref_slice %arg18[%dma_start3A_151, %dma_start3A_152] : memref<128x16xf32, #tpu.memory_space<vmem>> -> memref<128x16xf32, #tpu.memory_space<vmem>>
      tpu.enqueue_dma source(%dma_start3A_153 : memref<128x16xf32, #tpu.memory_space<vmem>>) target(%dma_start3A_150 : memref<128x16xf32, #tpu.memory_space<hbm>>) target_semaphore(%run_scoped3A_141 : memref<!tpu.dma_semaphore, #tpu.memory_space<semaphore_mem>>)
      %dma_wait3A_154 = arith.constant 0 : i32
      %dma_wait3A_155 = arith.constant 0 : i32
      %dma_wait3A_156 = tpu.memref_slice %arg18[%dma_wait3A_154, %dma_wait3A_155] : memref<128x16xf32, #tpu.memory_space<vmem>> -> memref<128x16xf32, #tpu.memory_space<vmem>>
      %dma_wait3A_157 = arith.constant 0 : i32
      %dma_wait3A_158 = tpu.memref_slice %arg8[%arg0, %add3A_132, %dma_wait3A_157] : memref<2x10112x16xf32, #tpu.memory_space<hbm>> -> memref<1x128x16xf32, #tpu.memory_space<hbm>>
      %dma_wait3A_159 = tpu.memref_squeeze %dma_wait3A_158 : memref<1x128x16xf32, #tpu.memory_space<hbm>> -> memref<128x16xf32, #tpu.memory_space<hbm>>
      %dma_wait3A_160 = arith.constant 0 : i32
      %dma_wait3A_161 = tpu.memref_slice %arg8[%arg0, %add3A_132, %dma_wait3A_160] : memref<2x10112x16xf32, #tpu.memory_space<hbm>> -> memref<1x128x16xf32, #tpu.memory_space<hbm>>
      %dma_wait3A_162 = tpu.memref_squeeze %dma_wait3A_161 : memref<1x128x16xf32, #tpu.memory_space<hbm>> -> memref<128x16xf32, #tpu.memory_space<hbm>>
      %dma_wait3A_163 = arith.constant 0 : i32
      %dma_wait3A_164 = arith.constant 0 : i32
      %dma_wait3A_165 = tpu.memref_slice %arg18[%dma_wait3A_163, %dma_wait3A_164] : memref<128x16xf32, #tpu.memory_space<vmem>> -> memref<128x16xf32, #tpu.memory_space<vmem>>
      tpu.wait_dma2 semaphore(%run_scoped3A_141 : memref<!tpu.dma_semaphore, #tpu.memory_space<semaphore_mem>>) src(%dma_wait3A_165 : memref<128x16xf32, #tpu.memory_space<vmem>>) dst(%dma_wait3A_162 : memref<128x16xf32, #tpu.memory_space<hbm>>)
      tpu.yield
    }) : () -> ()
    %add3A_133 = arith.constant 512 : i32
    %add3A_134 = arith.addi %mul3A_4, %add3A_133 : i32
    "tpu.region"() ({
      %run_scoped3A_141 = tpu.sem_alloc : memref<!tpu.dma_semaphore, #tpu.memory_space<semaphore_mem>>
      %dma_start3A_142 = arith.constant 0 : i32
      %dma_start3A_143 = arith.constant 0 : i32
      %dma_start3A_144 = tpu.memref_slice %arg15[%dma_start3A_142, %dma_start3A_143] : memref<128x128xf32, #tpu.memory_space<vmem>> -> memref<120x128xf32, #tpu.memory_space<vmem>>
      %dma_start3A_145 = arith.constant 0 : i32
      %dma_start3A_146 = tpu.memref_slice %arg21[%add3A_134, %dma_start3A_145] : memref<10112x128xf32, #tpu.memory_space<vmem_shared>> -> memref<120x128xf32, #tpu.memory_space<vmem_shared>>
      %dma_start3A_147 = arith.constant 0 : i32
      %dma_start3A_148 = arith.constant 0 : i32
      %dma_start3A_149 = tpu.memref_slice %arg15[%dma_start3A_147, %dma_start3A_148] : memref<128x128xf32, #tpu.memory_space<vmem>> -> memref<120x128xf32, #tpu.memory_space<vmem>>
      %dma_start3A_150 = arith.constant 0 : i32
      %dma_start3A_151 = tpu.memref_slice %arg21[%add3A_134, %dma_start3A_150] : memref<10112x128xf32, #tpu.memory_space<vmem_shared>> -> memref<120x128xf32, #tpu.memory_space<vmem_shared>>
      tpu.enqueue_dma source(%dma_start3A_151 : memref<120x128xf32, #tpu.memory_space<vmem_shared>>) target(%dma_start3A_149 : memref<120x128xf32, #tpu.memory_space<vmem>>) target_semaphore(%run_scoped3A_141 : memref<!tpu.dma_semaphore, #tpu.memory_space<semaphore_mem>>)
      %dma_wait3A_152 = arith.constant 0 : i32
      %dma_wait3A_153 = arith.constant 0 : i32
      %dma_wait3A_154 = tpu.memref_slice %arg15[%dma_wait3A_152, %dma_wait3A_153] : memref<128x128xf32, #tpu.memory_space<vmem>> -> memref<120x128xf32, #tpu.memory_space<vmem>>
      %dma_wait3A_155 = arith.constant 0 : i32
      %dma_wait3A_156 = tpu.memref_slice %arg21[%add3A_134, %dma_wait3A_155] : memref<10112x128xf32, #tpu.memory_space<vmem_shared>> -> memref<120x128xf32, #tpu.memory_space<vmem_shared>>
      %dma_wait3A_157 = arith.constant 0 : i32
      %dma_wait3A_158 = arith.constant 0 : i32
      %dma_wait3A_159 = tpu.memref_slice %arg15[%dma_wait3A_157, %dma_wait3A_158] : memref<128x128xf32, #tpu.memory_space<vmem>> -> memref<120x128xf32, #tpu.memory_space<vmem>>
      %dma_wait3A_160 = arith.constant 0 : i32
      %dma_wait3A_161 = tpu.memref_slice %arg21[%add3A_134, %dma_wait3A_160] : memref<10112x128xf32, #tpu.memory_space<vmem_shared>> -> memref<120x128xf32, #tpu.memory_space<vmem_shared>>
      tpu.wait_dma2 semaphore(%run_scoped3A_141 : memref<!tpu.dma_semaphore, #tpu.memory_space<semaphore_mem>>) src(%dma_wait3A_161 : memref<120x128xf32, #tpu.memory_space<vmem_shared>>) dst(%dma_wait3A_159 : memref<120x128xf32, #tpu.memory_space<vmem>>)
      tpu.yield
    }) : () -> ()
    %add3A_135 = arith.constant 512 : i32
    %add3A_136 = arith.addi %mul3A_4, %add3A_135 : i32
    "tpu.region"() ({
      %run_scoped3A_141 = tpu.sem_alloc : memref<!tpu.dma_semaphore, #tpu.memory_space<semaphore_mem>>
      %dma_start3A_142 = arith.constant 0 : i32
      %dma_start3A_143 = arith.constant 0 : i32
      %dma_start3A_144 = tpu.memref_slice %arg15[%dma_start3A_142, %dma_start3A_143] : memref<128x128xf32, #tpu.memory_space<vmem>> -> memref<120x128xf32, #tpu.memory_space<vmem>>
      %dma_start3A_145 = arith.constant 0 : i32
      %dma_start3A_146 = tpu.memref_slice %arg7[%arg0, %add3A_136, %dma_start3A_145] : memref<2x10112x128xf32, #tpu.memory_space<hbm>> -> memref<1x120x128xf32, #tpu.memory_space<hbm>>
      %dma_start3A_147 = tpu.memref_squeeze %dma_start3A_146 : memref<1x120x128xf32, #tpu.memory_space<hbm>> -> memref<120x128xf32, #tpu.memory_space<hbm>>
      %dma_start3A_148 = arith.constant 0 : i32
      %dma_start3A_149 = tpu.memref_slice %arg7[%arg0, %add3A_136, %dma_start3A_148] : memref<2x10112x128xf32, #tpu.memory_space<hbm>> -> memref<1x120x128xf32, #tpu.memory_space<hbm>>
      %dma_start3A_150 = tpu.memref_squeeze %dma_start3A_149 : memref<1x120x128xf32, #tpu.memory_space<hbm>> -> memref<120x128xf32, #tpu.memory_space<hbm>>
      %dma_start3A_151 = arith.constant 0 : i32
      %dma_start3A_152 = arith.constant 0 : i32
      %dma_start3A_153 = tpu.memref_slice %arg15[%dma_start3A_151, %dma_start3A_152] : memref<128x128xf32, #tpu.memory_space<vmem>> -> memref<120x128xf32, #tpu.memory_space<vmem>>
      tpu.enqueue_dma source(%dma_start3A_153 : memref<120x128xf32, #tpu.memory_space<vmem>>) target(%dma_start3A_150 : memref<120x128xf32, #tpu.memory_space<hbm>>) target_semaphore(%run_scoped3A_141 : memref<!tpu.dma_semaphore, #tpu.memory_space<semaphore_mem>>)
      %dma_wait3A_154 = arith.constant 0 : i32
      %dma_wait3A_155 = arith.constant 0 : i32
      %dma_wait3A_156 = tpu.memref_slice %arg15[%dma_wait3A_154, %dma_wait3A_155] : memref<128x128xf32, #tpu.memory_space<vmem>> -> memref<120x128xf32, #tpu.memory_space<vmem>>
      %dma_wait3A_157 = arith.constant 0 : i32
      %dma_wait3A_158 = tpu.memref_slice %arg7[%arg0, %add3A_136, %dma_wait3A_157] : memref<2x10112x128xf32, #tpu.memory_space<hbm>> -> memref<1x120x128xf32, #tpu.memory_space<hbm>>
      %dma_wait3A_159 = tpu.memref_squeeze %dma_wait3A_158 : memref<1x120x128xf32, #tpu.memory_space<hbm>> -> memref<120x128xf32, #tpu.memory_space<hbm>>
      %dma_wait3A_160 = arith.constant 0 : i32
      %dma_wait3A_161 = tpu.memref_slice %arg7[%arg0, %add3A_136, %dma_wait3A_160] : memref<2x10112x128xf32, #tpu.memory_space<hbm>> -> memref<1x120x128xf32, #tpu.memory_space<hbm>>
      %dma_wait3A_162 = tpu.memref_squeeze %dma_wait3A_161 : memref<1x120x128xf32, #tpu.memory_space<hbm>> -> memref<120x128xf32, #tpu.memory_space<hbm>>
      %dma_wait3A_163 = arith.constant 0 : i32
      %dma_wait3A_164 = arith.constant 0 : i32
      %dma_wait3A_165 = tpu.memref_slice %arg15[%dma_wait3A_163, %dma_wait3A_164] : memref<128x128xf32, #tpu.memory_space<vmem>> -> memref<120x128xf32, #tpu.memory_space<vmem>>
      tpu.wait_dma2 semaphore(%run_scoped3A_141 : memref<!tpu.dma_semaphore, #tpu.memory_space<semaphore_mem>>) src(%dma_wait3A_165 : memref<120x128xf32, #tpu.memory_space<vmem>>) dst(%dma_wait3A_162 : memref<120x128xf32, #tpu.memory_space<hbm>>)
      tpu.yield
    }) : () -> ()
    %add3A_137 = arith.constant 512 : i32
    %add3A_138 = arith.addi %mul3A_4, %add3A_137 : i32
    "tpu.region"() ({
      %run_scoped3A_141 = tpu.sem_alloc : memref<!tpu.dma_semaphore, #tpu.memory_space<semaphore_mem>>
      %dma_start3A_142 = arith.constant 0 : i32
      %dma_start3A_143 = arith.constant 0 : i32
      %dma_start3A_144 = tpu.memref_slice %arg18[%dma_start3A_142, %dma_start3A_143] : memref<128x16xf32, #tpu.memory_space<vmem>> -> memref<120x16xf32, #tpu.memory_space<vmem>>
      %dma_start3A_145 = arith.constant 0 : i32
      %dma_start3A_146 = tpu.memref_slice %arg22[%add3A_138, %dma_start3A_145] : memref<10112x16xf32, #tpu.memory_space<vmem_shared>> -> memref<120x16xf32, #tpu.memory_space<vmem_shared>>
      %dma_start3A_147 = arith.constant 0 : i32
      %dma_start3A_148 = arith.constant 0 : i32
      %dma_start3A_149 = tpu.memref_slice %arg18[%dma_start3A_147, %dma_start3A_148] : memref<128x16xf32, #tpu.memory_space<vmem>> -> memref<120x16xf32, #tpu.memory_space<vmem>>
      %dma_start3A_150 = arith.constant 0 : i32
      %dma_start3A_151 = tpu.memref_slice %arg22[%add3A_138, %dma_start3A_150] : memref<10112x16xf32, #tpu.memory_space<vmem_shared>> -> memref<120x16xf32, #tpu.memory_space<vmem_shared>>
      tpu.enqueue_dma source(%dma_start3A_151 : memref<120x16xf32, #tpu.memory_space<vmem_shared>>) target(%dma_start3A_149 : memref<120x16xf32, #tpu.memory_space<vmem>>) target_semaphore(%run_scoped3A_141 : memref<!tpu.dma_semaphore, #tpu.memory_space<semaphore_mem>>)
      %dma_wait3A_152 = arith.constant 0 : i32
      %dma_wait3A_153 = arith.constant 0 : i32
      %dma_wait3A_154 = tpu.memref_slice %arg18[%dma_wait3A_152, %dma_wait3A_153] : memref<128x16xf32, #tpu.memory_space<vmem>> -> memref<120x16xf32, #tpu.memory_space<vmem>>
      %dma_wait3A_155 = arith.constant 0 : i32
      %dma_wait3A_156 = tpu.memref_slice %arg22[%add3A_138, %dma_wait3A_155] : memref<10112x16xf32, #tpu.memory_space<vmem_shared>> -> memref<120x16xf32, #tpu.memory_space<vmem_shared>>
      %dma_wait3A_157 = arith.constant 0 : i32
      %dma_wait3A_158 = arith.constant 0 : i32
      %dma_wait3A_159 = tpu.memref_slice %arg18[%dma_wait3A_157, %dma_wait3A_158] : memref<128x16xf32, #tpu.memory_space<vmem>> -> memref<120x16xf32, #tpu.memory_space<vmem>>
      %dma_wait3A_160 = arith.constant 0 : i32
      %dma_wait3A_161 = tpu.memref_slice %arg22[%add3A_138, %dma_wait3A_160] : memref<10112x16xf32, #tpu.memory_space<vmem_shared>> -> memref<120x16xf32, #tpu.memory_space<vmem_shared>>
      tpu.wait_dma2 semaphore(%run_scoped3A_141 : memref<!tpu.dma_semaphore, #tpu.memory_space<semaphore_mem>>) src(%dma_wait3A_161 : memref<120x16xf32, #tpu.memory_space<vmem_shared>>) dst(%dma_wait3A_159 : memref<120x16xf32, #tpu.memory_space<vmem>>)
      tpu.yield
    }) : () -> ()
    %add3A_139 = arith.constant 512 : i32
    %add3A_140 = arith.addi %mul3A_4, %add3A_139 : i32
    "tpu.region"() ({
      %run_scoped3A_141 = tpu.sem_alloc : memref<!tpu.dma_semaphore, #tpu.memory_space<semaphore_mem>>
      %dma_start3A_142 = arith.constant 0 : i32
      %dma_start3A_143 = arith.constant 0 : i32
      %dma_start3A_144 = tpu.memref_slice %arg18[%dma_start3A_142, %dma_start3A_143] : memref<128x16xf32, #tpu.memory_space<vmem>> -> memref<120x16xf32, #tpu.memory_space<vmem>>
      %dma_start3A_145 = arith.constant 0 : i32
      %dma_start3A_146 = tpu.memref_slice %arg8[%arg0, %add3A_140, %dma_start3A_145] : memref<2x10112x16xf32, #tpu.memory_space<hbm>> -> memref<1x120x16xf32, #tpu.memory_space<hbm>>
      %dma_start3A_147 = tpu.memref_squeeze %dma_start3A_146 : memref<1x120x16xf32, #tpu.memory_space<hbm>> -> memref<120x16xf32, #tpu.memory_space<hbm>>
      %dma_start3A_148 = arith.constant 0 : i32
      %dma_start3A_149 = tpu.memref_slice %arg8[%arg0, %add3A_140, %dma_start3A_148] : memref<2x10112x16xf32, #tpu.memory_space<hbm>> -> memref<1x120x16xf32, #tpu.memory_space<hbm>>
      %dma_start3A_150 = tpu.memref_squeeze %dma_start3A_149 : memref<1x120x16xf32, #tpu.memory_space<hbm>> -> memref<120x16xf32, #tpu.memory_space<hbm>>
      %dma_start3A_151 = arith.constant 0 : i32
      %dma_start3A_152 = arith.constant 0 : i32
      %dma_start3A_153 = tpu.memref_slice %arg18[%dma_start3A_151, %dma_start3A_152] : memref<128x16xf32, #tpu.memory_space<vmem>> -> memref<120x16xf32, #tpu.memory_space<vmem>>
      tpu.enqueue_dma source(%dma_start3A_153 : memref<120x16xf32, #tpu.memory_space<vmem>>) target(%dma_start3A_150 : memref<120x16xf32, #tpu.memory_space<hbm>>) target_semaphore(%run_scoped3A_141 : memref<!tpu.dma_semaphore, #tpu.memory_space<semaphore_mem>>)
      %dma_wait3A_154 = arith.constant 0 : i32
      %dma_wait3A_155 = arith.constant 0 : i32
      %dma_wait3A_156 = tpu.memref_slice %arg18[%dma_wait3A_154, %dma_wait3A_155] : memref<128x16xf32, #tpu.memory_space<vmem>> -> memref<120x16xf32, #tpu.memory_space<vmem>>
      %dma_wait3A_157 = arith.constant 0 : i32
      %dma_wait3A_158 = tpu.memref_slice %arg8[%arg0, %add3A_140, %dma_wait3A_157] : memref<2x10112x16xf32, #tpu.memory_space<hbm>> -> memref<1x120x16xf32, #tpu.memory_space<hbm>>
      %dma_wait3A_159 = tpu.memref_squeeze %dma_wait3A_158 : memref<1x120x16xf32, #tpu.memory_space<hbm>> -> memref<120x16xf32, #tpu.memory_space<hbm>>
      %dma_wait3A_160 = arith.constant 0 : i32
      %dma_wait3A_161 = tpu.memref_slice %arg8[%arg0, %add3A_140, %dma_wait3A_160] : memref<2x10112x16xf32, #tpu.memory_space<hbm>> -> memref<1x120x16xf32, #tpu.memory_space<hbm>>
      %dma_wait3A_162 = tpu.memref_squeeze %dma_wait3A_161 : memref<1x120x16xf32, #tpu.memory_space<hbm>> -> memref<120x16xf32, #tpu.memory_space<hbm>>
      %dma_wait3A_163 = arith.constant 0 : i32
      %dma_wait3A_164 = arith.constant 0 : i32
      %dma_wait3A_165 = tpu.memref_slice %arg18[%dma_wait3A_163, %dma_wait3A_164] : memref<128x16xf32, #tpu.memory_space<vmem>> -> memref<120x16xf32, #tpu.memory_space<vmem>>
      tpu.wait_dma2 semaphore(%run_scoped3A_141 : memref<!tpu.dma_semaphore, #tpu.memory_space<semaphore_mem>>) src(%dma_wait3A_165 : memref<120x16xf32, #tpu.memory_space<vmem>>) dst(%dma_wait3A_162 : memref<120x16xf32, #tpu.memory_space<hbm>>)
      tpu.yield
    }) : () -> ()
    return
  }
}

module attributes {stable_mosaic.version = 14 : i64} {
  func.func @_tc_body(%arg0: memref<2x10112x128xf32, #tpu.memory_space<vmem>>, %arg1: memref<2x10112x16xf32, #tpu.memory_space<vmem>>, %arg2: memref<10000x128xf32, #tpu.memory_space<vmem>>, %arg3: memref<128x16xf32, #tpu.memory_space<vmem>>, %arg4: memref<128x128xf32, #tpu.memory_space<vmem>>, %arg5: memref<1x128xf32, #tpu.memory_space<vmem>>, %arg6: memref<128x128xf32, #tpu.memory_space<vmem>>, %arg7: memref<1x128xf32, #tpu.memory_space<vmem>>, %arg8: memref<1x128xf32, #tpu.memory_space<vmem>>, %arg9: memref<10000x128xf32, #tpu.memory_space<vmem>>) attributes {dimension_semantics = [], scalar_prefetch = 0 : i64, scratch_operands = 0 : i64, tpu.core_type = #tpu.core_type<tc>} {
    %get3A = arith.constant 0 : index
    %get3A_0 = arith.constant 0 : index
    %get3A_1 = arith.constant 0 : index
    %get3A_2 = vector.load %arg0[%get3A, %get3A_0, %get3A_1] : memref<2x10112x128xf32, #tpu.memory_space<vmem>>, vector<1x10000x128xf32>
    %get3A_3 = vector.shape_cast %get3A_2 : vector<1x10000x128xf32> to vector<10000x128xf32>
    %get3A_4 = arith.constant 1 : index
    %get3A_5 = arith.constant 0 : index
    %get3A_6 = arith.constant 0 : index
    %get3A_7 = vector.load %arg0[%get3A_4, %get3A_5, %get3A_6] : memref<2x10112x128xf32, #tpu.memory_space<vmem>>, vector<1x10000x128xf32>
    %get3A_8 = vector.shape_cast %get3A_7 : vector<1x10000x128xf32> to vector<10000x128xf32>
    %add3A = arith.addf %get3A_3, %get3A_8 : vector<10000x128xf32>
    %get3A_9 = arith.constant 0 : index
    %get3A_10 = arith.constant 0 : index
    %get3A_11 = arith.constant 0 : index
    %get3A_12 = vector.load %arg1[%get3A_9, %get3A_10, %get3A_11] : memref<2x10112x16xf32, #tpu.memory_space<vmem>>, vector<1x10000x16xf32>
    %get3A_13 = vector.shape_cast %get3A_12 : vector<1x10000x16xf32> to vector<10000x16xf32>
    %get3A_14 = arith.constant 1 : index
    %get3A_15 = arith.constant 0 : index
    %get3A_16 = arith.constant 0 : index
    %get3A_17 = vector.load %arg1[%get3A_14, %get3A_15, %get3A_16] : memref<2x10112x16xf32, #tpu.memory_space<vmem>>, vector<1x10000x16xf32>
    %get3A_18 = vector.shape_cast %get3A_17 : vector<1x10000x16xf32> to vector<10000x16xf32>
    %add3A_19 = arith.addf %get3A_13, %get3A_18 : vector<10000x16xf32>
    %get3A_20 = arith.constant 0 : index
    %get3A_21 = arith.constant 0 : index
    %get3A_22 = vector.load %arg2[%get3A_20, %get3A_21] : memref<10000x128xf32, #tpu.memory_space<vmem>>, vector<10000x128xf32>
    %get3A_23 = arith.constant 0 : index
    %get3A_24 = arith.constant 0 : index
    %get3A_25 = vector.load %arg3[%get3A_23, %get3A_24] : memref<128x16xf32, #tpu.memory_space<vmem>>, vector<128x16xf32>
    %dot_general3A = arith.constant dense<0.000000e+00> : vector<10000x128xf32>
    %dot_general3A_26 = tpu.matmul %add3A_19, %get3A_25, %dot_general3A {dimension_numbers = #tpu.dot_dimension_numbers<[1], [1], [0], [0], [0, 0, 1, 0], [], []>, transpose_lhs_hint = false} : vector<10000x16xf32>, vector<128x16xf32>, vector<10000x128xf32> -> vector<10000x128xf32>
    %add3A_27 = arith.addf %add3A, %dot_general3A_26 : vector<10000x128xf32>
    %get3A_28 = arith.constant 0 : index
    %get3A_29 = arith.constant 0 : index
    %get3A_30 = vector.load %arg4[%get3A_28, %get3A_29] : memref<128x128xf32, #tpu.memory_space<vmem>>, vector<128x128xf32>
    %dot_general3A_31 = arith.constant dense<0.000000e+00> : vector<10000x128xf32>
    %dot_general3A_32 = tpu.matmul %add3A_27, %get3A_30, %dot_general3A_31 {dimension_numbers = #tpu.dot_dimension_numbers<[1], [1], [0], [0], [0, 0, 1, 0], [], []>, transpose_lhs_hint = false} : vector<10000x128xf32>, vector<128x128xf32>, vector<10000x128xf32> -> vector<10000x128xf32>
    %get3A_33 = arith.constant 0 : index
    %get3A_34 = arith.constant 0 : index
    %get3A_35 = vector.load %arg6[%get3A_33, %get3A_34] : memref<128x128xf32, #tpu.memory_space<vmem>>, vector<128x128xf32>
    %dot_general3A_36 = arith.constant dense<0.000000e+00> : vector<10000x128xf32>
    %dot_general3A_37 = tpu.matmul %get3A_22, %get3A_35, %dot_general3A_36 {dimension_numbers = #tpu.dot_dimension_numbers<[1], [1], [0], [0], [0, 0, 1, 0], [], []>, transpose_lhs_hint = false} : vector<10000x128xf32>, vector<128x128xf32>, vector<10000x128xf32> -> vector<10000x128xf32>
    %add3A_38 = arith.addf %dot_general3A_32, %dot_general3A_37 : vector<10000x128xf32>
    %get3A_39 = arith.constant 0 : index
    %get3A_40 = arith.constant 0 : index
    %get3A_41 = vector.load %arg5[%get3A_39, %get3A_40] : memref<1x128xf32, #tpu.memory_space<vmem>>, vector<1x128xf32>
    %add3A_42 = vector.broadcast %get3A_41 : vector<1x128xf32> to vector<10000x128xf32>
    %add3A_43 = arith.addf %add3A_38, %add3A_42 : vector<10000x128xf32>
    %max3A = arith.constant 0.000000e+00 : f32
    %max3A_44 = vector.broadcast %max3A : f32 to vector<10000x128xf32>
    %max3A_45 = arith.maximumf %add3A_43, %max3A_44 : vector<10000x128xf32>
    %reduce_sum3A = arith.constant dense<0.000000e+00> : vector<128xf32>
    %reduce_sum3A_46 = vector.multi_reduction <add>, %max3A_45, %reduce_sum3A [0] : vector<10000x128xf32> to vector<128xf32>
    %broadcast_in_dim3A = vector.shape_cast %reduce_sum3A_46 : vector<128xf32> to vector<1x128xf32>
    %div3A = arith.constant 1.000000e+04 : f32
    %div3A_47 = vector.broadcast %div3A : f32 to vector<1x128xf32>
    %div3A_48 = arith.divf %broadcast_in_dim3A, %div3A_47 : vector<1x128xf32>
    %sub3A = vector.broadcast %div3A_48 : vector<1x128xf32> to vector<10000x128xf32>
    %sub3A_49 = arith.subf %max3A_45, %sub3A : vector<10000x128xf32>
    %integer_pow3A = arith.mulf %sub3A_49, %sub3A_49 : vector<10000x128xf32>
    %reduce_sum3A_50 = arith.constant dense<0.000000e+00> : vector<128xf32>
    %reduce_sum3A_51 = vector.multi_reduction <add>, %integer_pow3A, %reduce_sum3A_50 [0] : vector<10000x128xf32> to vector<128xf32>
    %broadcast_in_dim3A_52 = vector.shape_cast %reduce_sum3A_51 : vector<128xf32> to vector<1x128xf32>
    %div3A_53 = arith.constant 1.000000e+04 : f32
    %div3A_54 = vector.broadcast %div3A_53 : f32 to vector<1x128xf32>
    %div3A_55 = arith.divf %broadcast_in_dim3A_52, %div3A_54 : vector<1x128xf32>
    %sub3A_56 = vector.broadcast %div3A_48 : vector<1x128xf32> to vector<10000x128xf32>
    %sub3A_57 = arith.subf %max3A_45, %sub3A_56 : vector<10000x128xf32>
    %add3A_58 = arith.constant 9.99999974E-6 : f32
    %add3A_59 = vector.broadcast %add3A_58 : f32 to vector<1x128xf32>
    %add3A_60 = arith.addf %div3A_55, %add3A_59 : vector<1x128xf32>
    %rsqrt3A = math.rsqrt %add3A_60 : vector<1x128xf32>
    %mul3A = vector.broadcast %rsqrt3A : vector<1x128xf32> to vector<10000x128xf32>
    %mul3A_61 = arith.mulf %sub3A_57, %mul3A : vector<10000x128xf32>
    %get3A_62 = arith.constant 0 : index
    %get3A_63 = arith.constant 0 : index
    %get3A_64 = vector.load %arg7[%get3A_62, %get3A_63] : memref<1x128xf32, #tpu.memory_space<vmem>>, vector<1x128xf32>
    %mul3A_65 = vector.broadcast %get3A_64 : vector<1x128xf32> to vector<10000x128xf32>
    %mul3A_66 = arith.mulf %mul3A_61, %mul3A_65 : vector<10000x128xf32>
    %get3A_67 = arith.constant 0 : index
    %get3A_68 = arith.constant 0 : index
    %get3A_69 = vector.load %arg8[%get3A_67, %get3A_68] : memref<1x128xf32, #tpu.memory_space<vmem>>, vector<1x128xf32>
    %add3A_70 = vector.broadcast %get3A_69 : vector<1x128xf32> to vector<10000x128xf32>
    %add3A_71 = arith.addf %mul3A_66, %add3A_70 : vector<10000x128xf32>
    %swap3A = arith.constant 0 : index
    %swap3A_72 = arith.constant 0 : index
    %swap3A_73 = vector.load %arg9[%swap3A, %swap3A_72] : memref<10000x128xf32, #tpu.memory_space<vmem>>, vector<10000x128xf32>
    tpu.vector_store %arg9[%swap3A, %swap3A_72], %add3A_71 {strides = array<i32>} : memref<10000x128xf32, #tpu.memory_space<vmem>>, vector<10000x128xf32>,
    return
  }
}

</mosaic_0001>

<sc_bundles>
// kernel: kernel.4.cloned.1.call-start
scs
__scs_entry_jumppad:
0x0: {  	(pc) =	sbr.rel $0x88, $3  }
0x1: {  	(tag) =	ssettag $0x0;
	lr =	simm.s32 $0x1  }
0x2: {  	[smem:$0x3F98] =	sst lr;
	_ =	strace $0xD0000000  }
0x3: {  	_ = 	snop  }
0x4: {  	_ = 	snop  }
0x5: {  	_ = 	snop  }
0x6: {  	_ = 	snop  }
0x7: {  	_ = 	snop  }
__scs_overlays_trampoline_lowered:
0x8: {  	[smem:$0x3FA7] =	sst s0  }
0x9: {  	[smem:$0x3FA8] =	sst s1  }
0xa: {  	[smem:$0x3FA9] =	sst s2  }
0xb: {  	[smem:$0x3FAA] =	sst s3  }
0xc: {  	[smem:$0x3FAB] =	sst s4  }
0xd: {  	[smem:$0x3FAC] =	sst s5  }
0xe: {  	[smem:$0x3FAD] =	sst s6  }
0xf: {  	[smem:$0x3FAE] =	sst s7  }
0x10: {  	[smem:$0x3FAF] =	sst s8  }
0x11: {  	[smem:$0x3FB0] =	sst s9;
	s0 =	simm.s32 @!p0 $0x0  }
0x12: {  	s1 =	sld [smem:$0x3F96];
	s0 =	simm.s32 @p0 $0x1  }
0x13: {  	[smem:$0x3FB1] =	sst s0;
	s0 =	simm.s32 @!p1 $0x0  }
0x14: {  	s2 =	sld [smem:$0x3F95];
	s0 =	simm.s32 @p1 $0x1  }
0x15: {  	[smem:$0x3FB2] =	sst s0;
	s0 =	simm.s32 @!p2 $0x0  }
0x16: {  	s3 =	sld [smem:$0x3FDB];
	s0 =	simm.s32 @p2 $0x1  }
0x17: {  	s4 =	simm.s32 $0x1BF5;
	[smem:$0x3FB4] =	sst s0  }
0x18: {  	s0 =	sld [smem:$0x3F97];
	_ =	swait.ge [sflag:s4], $0x0  }
0x19: {  	s7 =	sld [smem:$0x3F98]  }
0x1a: {  	s8 =	sadd.s32 $0xFFFFE003, lr  }
0x1b: {  	s9 =	sadd.s32 $0xFFFFFEF7, lr;
	s5 =	simm.s32 $0xFFFFFFFF;
	p2 =	slt.u32 s8, $0xFFFFF086  }
0x1c: {  	p1 =	slt.u32 s9, $0xF7A;
	s5 =	simm.s32 @!p2 $0x0  }
0x1d: {  	s5 =	simm.s32 @p1 $0x1;
	p0 =	seq.s32 s7, s2  }
0x1e: {  	s7 =	smul.u32 @!p0 $0xF7A, s2;
	p2 =	seq.s32 @!p0 s5, $0x0  }
0x1f: {  	s9 =	smul.u32 $0xF7A, s1;
	s8 =	simm.s32 @!p0 $0x1BF5;
	p2 =	por !p2, p0  }
0x20: {  	[sflag:s8] =	ssyncset.s32 @!p0 $0xFFFFF086;
	s6 =	sadd.s32 @!p0 s3, s7;
	s7 =	simm.s32 @!p0 $0x108  }
0x21: {  	s3 =	sadd.s32 s3, s9;
	s6 =	sadd.s32 @!p0 $0x88, s6;
	s7 =	simm.s32 @p2 $0x1082  }
0x22: {  	[simem:s7], [sflag:s8] =	dma.local @!p0 [hbm:s6], $0xF7A  }
0x23: {  	s9 =	sor.u32 $0xD0000000, s2;
	s6 =	simm.s32 $0x108;
	_ =	swait.ge @!p0 [sflag:s8], $0x0  }
0x24: {  	s3 =	sadd.s32 $0x88, s3;
	s6 =	simm.s32 @!p1 $0x1082;
	[sflag:s4] =	ssyncset.s32 $0xFFFFF086  }
0x25: {  	[simem:s6], [sflag:s4] =	dma.local [hbm:s3], $0xF7A  }
0x26: {  	[smem:$0x3F98] =	sst s1;
	(tag) =	ssettag s2;
	_ =	strace s9  }
0x27: {  	s1 =	sld [smem:$0x3FA8]  }
0x28: {  	s2 =	sld [smem:$0x3FA9]  }
0x29: {  	s4 =	sld [smem:$0x3FAB]  }
0x2a: {  	p0 =	seq.s32 s5, $0x0;
	s5 =	sld [smem:$0x3FAC]  }
0x2b: {  	s6 =	sld [smem:$0x3FAD]  }
0x2c: {  	s7 =	sld [smem:$0x3FAE]  }
0x2d: {  	s3 =	simm.s32 $0x108;
	s8 =	sld [smem:$0x3FAF]  }
0x2e: {  	s3 =	simm.s32 @!p0 $0x1082;
	s9 =	sld [smem:$0x3FB0]  }
0x2f: {  	lr =	sadd.s32 s0, s3;
	s0 =	sld [smem:$0x3FA7]  }
0x30: {  	s3 =	sld [smem:$0x3FAA]  }
0x31: {  	[smem:$0x3FB3] =	sst s10  }
0x32: {  	s10 =	sld [smem:$0x3FB1];
	_ =	sdelay $0x3  }
0x33: {  	p0 =	seq.s32 s10, $0x1;
	s10 =	sld [smem:$0x3FB3];
	_ =	sdelay $0x3  }
0x34: {  	[smem:$0x3FB3] =	sst s10  }
0x35: {  	s10 =	sld [smem:$0x3FB2];
	_ =	sdelay $0x3  }
0x36: {  	p1 =	seq.s32 s10, $0x1;
	s10 =	sld [smem:$0x3FB3];
	_ =	sdelay $0x3  }
0x37: {  	[smem:$0x3FB3] =	sst s10  }
0x38: {  	s10 =	sld [smem:$0x3FB4]  }
0x39: {  	_ = 	snop;
	(pc) =	sbr.ind lr, $3  }
0x3a: {  	_ = 	snop  }
0x3b: {  	_ = 	snop  }
0x3c: {  	p2 =	seq.s32 s10, $0x1;
	s10 =	sld [smem:$0x3FB3]  }
0x3d: {  	_ =	shalt  }
0x3e: {  	_ =	shalt  }
0x3f: {  	_ =	shalt  }
0x40: {  	_ =	shalt  }
0x41: {  	_ =	shalt  }
0x42: {  	_ =	shalt  }
0x43: {  	_ =	shalt  }
0x44: {  	_ =	shalt  }
0x45: {  	_ =	shalt  }
0x46: {  	_ =	shalt  }
0x47: {  	_ =	shalt  }
0x48: {  	_ =	shalt  }
0x49: {  	_ =	shalt  }
0x4a: {  	_ =	shalt  }
0x4b: {  	_ =	shalt  }
0x4c: {  	_ =	shalt  }
0x4d: {  	_ =	shalt  }
0x4e: {  	_ =	shalt  }
0x4f: {  	_ =	shalt  }
0x50: {  	_ =	shalt  }
0x51: {  	_ =	shalt  }
0x52: {  	_ =	shalt  }
0x53: {  	_ =	shalt  }
0x54: {  	_ =	shalt  }
0x55: {  	_ =	shalt  }
0x56: {  	_ =	shalt  }
0x57: {  	_ =	shalt  }
0x58: {  	_ =	shalt  }
0x59: {  	_ =	shalt  }
0x5a: {  	_ =	shalt  }
0x5b: {  	_ =	shalt  }
0x5c: {  	_ =	shalt  }
0x5d: {  	_ =	shalt  }
0x5e: {  	_ =	shalt  }
0x5f: {  	_ =	shalt  }
0x60: {  	_ =	shalt  }
0x61: {  	_ =	shalt  }
0x62: {  	_ =	shalt  }
0x63: {  	_ =	shalt  }
0x64: {  	_ =	shalt  }
0x65: {  	_ =	shalt  }
0x66: {  	_ =	shalt  }
0x67: {  	_ =	shalt  }
0x68: {  	_ =	shalt  }
0x69: {  	_ =	shalt  }
0x6a: {  	_ =	shalt  }
0x6b: {  	_ =	shalt  }
0x6c: {  	_ =	shalt  }
0x6d: {  	_ =	shalt  }
0x6e: {  	_ =	shalt  }
0x6f: {  	_ =	shalt  }
0x70: {  	_ =	shalt  }
0x71: {  	_ =	shalt  }
0x72: {  	_ =	shalt  }
0x73: {  	_ =	shalt  }
0x74: {  	_ =	shalt  }
0x75: {  	_ =	shalt  }
0x76: {  	_ =	shalt  }
0x77: {  	_ =	shalt  }
0x78: {  	_ =	shalt  }
0x79: {  	_ =	shalt  }
0x7a: {  	_ =	shalt  }
0x7b: {  	_ =	shalt  }
0x7c: {  	_ =	shalt  }
0x7d: {  	_ =	shalt  }
0x7e: {  	_ =	shalt  }
0x7f: {  	_ =	shalt  }
0x80: {  	_ =	shalt  }
0x81: {  	_ =	shalt  }
0x82: {  	_ =	shalt  }
0x83: {  	_ =	shalt  }
0x84: {  	_ =	shalt  }
0x85: {  	_ =	shalt  }
0x86: {  	_ =	shalt  }
0x87: {  	_ =	shalt  }
.Lfunc_end0:
.L_simem_size_0:
called_computation_lowered:
.L_overlay_start_0:
0x88: {  	s2 =	sld [smem:$0x3FD9]  }
0x89: {  	s3 =	sld [smem:$0x3FFE];
	_ =	sdelay $0x1  }
0x8a: {  	s1 =	srdreg.scid  }
0x8b: {  	s0 =	sand.u32 $0x1, s1  }
0x8c: {  	s17 =	sshll.u32 s0, $0xA;
	s2 =	sadd.s32 s3, s2  }
0x8d: {  	s2 =	sadd.s32 s2, s17  }
0x8e: {  	[smem:$0x3FBF] =	sst s2  }
0x8f: {  	_ = 	snop  }
0x90: {  	s2 =	sld [smem:$0x3FC9]  }
0x91: {  	s18 =	sld [smem:$0x3FD0];
	(tm) =	ssettm $0x1  }
0x92: {  	s4 =	sld [smem:$0x3FFB];
	_ =	sdelay $0x3  }
0x93: {  	_ =	strace s4  }
0x94: {  	s4 =	sld [smem:$0x3FFC];
	_ =	sdelay $0x3  }
0x95: {  	_ =	strace s4  }
0x96: {  	s4 =	sld [smem:$0x3FFD];
	_ =	sdelay $0x3  }
0x97: {  	_ =	strace s4  }
0x98: {  	_ =	strace $0x8FFFFFFF  }
0x99: {  	s19 =	sld [smem:$0x3FDB];
	_ =	sdelay $0x1  }
0x9a: {  	s5 =	simm.s32 $_scs_section_size  }
0x9b: {  	s6 =	simm.s32 $_size__tile_overlayer_lowered;
	s7 =	simm.s32 $_tile_overlayer_lowered  }
0x9c: {  	s22 =	simm.s32 $0x1BFF;
	s21 =	sshll.u32 s7, $0x1;
	s4 =	sadd.s32 s5, s19  }
0x9d: {  	s8 =	simm.s32 $0x0;
	s20 =	sshll.u32 s6, $0x1;
	s6 =	sadd.s32 s21, s4  }
0x9e: {  	[timem:s8], [sflag:s22] =	dma.local [hbm:s6], s20  }
0x9f: {  	_ =	swait.ge [sflag:s22], s20  }
0xa0: {  	s5 =	ssub.s32 $0x0, s20;
	[sflag:s22] =	ssyncset.done $0x0  }
0xa1: {  	[sflag:s22] =	ssyncadd.s32 s5;
	_ =	sdelay $0x1  }
0xa2: {  	s23 =	simm.s32 $0x1B8B  }
0xa3: {  	_ =	swait.ge [sflag:s23], $0x1  }
0xa4: {  	[sflag:s23] =	ssyncset.done $0x0  }
0xa5: {  	s25 =	simm.s32 $0x1B8E;
	s24 =	sld [smem:$0x3FFE];
	[sflag:s23] =	ssyncadd.s32 $0xFFFFFFFF  }
0xa6: {  	s26 =	simm.s32 $execute0_lowered;
	[smem:$0x3FD2] =	sst s25  }
0xa7: {  	s6 =	sshll.u32 s26, $0x1;
	_ =	strace $0x80000046;
	[dreg:$0x1] =	wrdreg $0xFFFFFFFF  }
0xa8: {  	s28 =	simm.s32 $_size_execute0_lowered;
	s4 =	sadd.s32 s4, s6;
	[dreg:$0x0] =	wrdreg $0x0  }
0xa9: {  	s6 =	sshll.u32 s28, $0x1;
	[dreg:$0x2] =	wrdreg s4  }
0xaa: {  	[dreg:$0x3] =	wrdreg s6  }
0xab: {  	[dreg:$0x4] =	wrdreg $0xC0  }
0xac: {  	_ =	task [dreg:s8], $0x5FFFF  }
0xad: {  	[dreg:$0x1] =	wrdreg $0xFFFFFFFF  }
0xae: {  	[dreg:$0x0] =	wrdreg $0x60  }
0xaf: {  	[dreg:$0x2] =	wrdreg s2  }
0xb0: {  	[dreg:$0x3] =	wrdreg s18  }
0xb1: {  	[dreg:$0x4] =	wrdreg s24  }
0xb2: {  	[dreg:$0x5] =	wrdreg $0x9B200  }
0xb3: {  	[dreg:$0x6] =	wrdreg $0x1D7200  }
0xb4: {  	[dreg:$0x7] =	wrdreg $0x9  }
0xb5: {  	_ =	task.clear_ibuf [dreg:s8], $0x8FFFF;
	_ =	strace $0x90000046  }
0xb6: {  	s29 =	simm.s32 $0x9;
	_ =	strace $0x80000048  }
0xb7: {  	_ =	swait.ge [sflag:s29], $0x1  }
0xb8: {  	[sflag:s29] =	ssyncadd.s32 $0xFFFFFFFF  }
0xb9: {  	_ =	strace $0x90000048  }
0xba: {  	_ =	sfence  }
0xbb: {  	s30 =	sld [smem:$0x0];
	_ =	sdelay $0x2  }
0xbc: {  	s31 =	sshll.u32 s1, $0xD;
	s1 =	sshrl.u32 s1, $0x2  }
0xbd: {  	s3 =	sand.u32 $0x4000, s31;
	s1 =	sadd.s32 s1, s30  }
0xbe: {  	s0 =	sor.u32 s3, s0;
	s1 =	sshll.u32 s1, $0x11  }
0xbf: {  	s0 =	sor.u32 s1, s0  }
0xc0: {  	s0 =	sadd.s32 $0x8F2B, s0  }
0xc1: {  	[sflag:s0] =	ssyncadd.remote.s32 $0x1  }
0xc2: {  	_ =	sfence.sel $0xFFFF  }
0xc3: {  	[dreg:$0x0] =	wrdreg $0xFFFFFFFF;
	(pc) =	sbr.abs _section_cstart, $3  }
0xc4: {  	[dreg:$0x1] =	wrdreg $0xFFFFFFFF  }
0xc5: {  	_ =	task.clear_ibuf [dreg:s8], $0x2FFFF;
	_ =	strace $0x9FFFFFFF  }
0xc6: {  	(tm) =	ssettm $0x7FFFFFFF  }
0xc7: {  	_ =	shalt  }
tec
execute0_lowered:
.L_overlay_start_1:
0x0: {  	(tag) =	ssettag $0x1  }
0x1: {  	s1 =	srdreg.scid  }
0x2: {  	s0 =	rddreg [dreg:$0x2];
	s21 =	stileid.u32;
	s11 =	sand.u32 $0x1, s1  }
0x3: {  	s12 =	sadd.s32 $0xC800, s0;
	s14 =	sadd.s32 $0x2A00, s0;
	s10 =	smul.u32 $0x278, s21  }
0x4: {  	s1 =	ssub.s32 $0x2, s11;
	s3 =	sshll.u32 s11, $0x4;
	s16 =	smul.u32 $0x13C000, s11  }
0x5: {  	s17 =	smul.u32 $0x27800, s11;
	s2 =	sshrl.u32 s1, $0x1;
	s15 =	sor.u32 s21, s3  }
0x6: {  	s3 =	smul.u32 $0x2780, s21;
	s5 =	sadd.s32 $0x80, s10;
	s7 =	sadd.s32 $0x100, s10  }
0x7: {  	s9 =	sadd.s32 $0x180, s10;
	s13 =	sadd.s32 $0x200, s10;
	s2 =	ssub.s32 s1, s2  }
0x8: {  	s1 =	smul.u32 $0x13C00, s21;
	s4 =	sshll.u32 s5, $0x7;
	s5 =	sshll.u32 s5, $0x4  }
0x9: {  	s6 =	sshll.u32 s7, $0x7;
	s7 =	sshll.u32 s7, $0x4;
	s8 =	sshll.u32 s9, $0x7  }
0xa: {  	s9 =	sshll.u32 s9, $0x4;
	s10 =	sshll.u32 s13, $0x7;
	s13 =	sshll.u32 s13, $0x4  }
0xb: {  	s19 =	sadd.s32 s3, s17;
	s22 =	sadd.s32 s16, s4;
	s23 =	sadd.s32 s16, s6  }
0xc: {  	s25 =	sadd.s32 s17, s7;
	s26 =	sadd.s32 s16, s8;
	s18 =	sadd.s32 s1, s16  }
0xd: {  	s20 =	sshrl.u32 s19, $0x3;
	s19 =	sshrl.u32 s23, $0x3;
	s16 =	sadd.s32 s16, s10  }
0xe: {  	s18 =	sshrl.u32 s18, $0x3;
	s19 =	sadd.s32 s12, s19;
	s16 =	sshrl.u32 s16, $0x3  }
0xf: {  	s18 =	sadd.s32 s12, s18;
	[dreg:$0x9] =	wrdreg s19;
	s19 =	sshrl.u32 s25, $0x3  }
0x10: {  	s25 =	smul.u32 $0x2710, s21;
	[dreg:$0x6] =	wrdreg s18;
	s18 =	sadd.s32 s14, s20  }
0x11: {  	s20 =	sadd.s32 s17, s5;
	s23 =	sadd.s32 s14, s19;
	s19 =	rddreg [dreg:$0x4]  }
0x12: {  	[dreg:$0x7] =	wrdreg s18;
	s18 =	sshrl.u32 s22, $0x3;
	s24 =	sshrl.u32 s20, $0x3  }
0x13: {  	s20 =	sshrl.u32 s26, $0x3;
	[dreg:$0xd] =	wrdreg s23;
	s26 =	smul.u32 $0x27100, s21  }
0x14: {  	s21 =	sadd.s32 $0x4E4000, s0;
	s29 =	sadd.s32 s5, s19;
	s18 =	sadd.s32 s12, s18  }
0x15: {  	s31 =	sadd.s32 s7, s19;
	s20 =	sadd.s32 s12, s20;
	[dreg:$0x8] =	wrdreg s18  }
0x16: {  	s12 =	sadd.s32 s12, s16;
	s22 =	sadd.s32 s14, s24;
	[dreg:$0xa] =	wrdreg s20  }
0x17: {  	s24 =	sadd.s32 s17, s9;
	s17 =	sadd.s32 s17, s13;
	[dreg:$0xb] =	wrdreg s12  }
0x18: {  	s20 =	smul.u32 $0x27100, s11;
	[dreg:$0xc] =	wrdreg s22;
	s16 =	sshrl.u32 s24, $0x3  }
0x19: {  	s17 =	sshrl.u32 s17, $0x3;
	s12 =	rddreg [dreg:$0x0];
	s16 =	sadd.s32 s14, s16  }
0x1a: {  	s11 =	smul.u32 $0x271000, s11;
	s14 =	sadd.s32 s14, s17;
	[dreg:$0xe] =	wrdreg s16  }
0x1b: {  	[dreg:$0xf] =	wrdreg s14;
	s14 =	smul.u32 $0x2710, s15;
	s18 =	sadd.s32 s25, s20  }
0x1c: {  	s17 =	sadd.s32 s26, s11;
	s11 =	simm.s32 $0x0;
	s15 =	smul.u32 $0x4E20, s15  }
0x1d: {  	s16 =	rddreg [dreg:$0x3];
	s26 =	sadd.s32 $0x2000, s0;
	s0 =	sadd.s32 $0x2800, s0  }
0x1e: {  	[smem:$0x7FF] =	sst s11;
	s24 =	sadd.s32 $0x800, s17;
	s15 =	sadd.s32 s21, s15  }
0x1f: {  	s20 =	sadd.s32 $0x2700, s14;
	s25 =	sshrl.u32 s24, $0x3;
	[dreg:$0x10] =	wrdreg s15  }
0x20: {  	s22 =	sshll.u32 s20, $0x1;
	s15 =	rddreg [dreg:$0x1];
	s17 =	sadd.s32 s25, s21  }
0x21: {  	s23 =	sadd.s32 s21, s22;
	s22 =	sadd.s32 $0x100, s18;
	[dreg:$0x14] =	wrdreg s17  }
0x22: {  	s28 =	sadd.s32 s4, s16;
	[dreg:$0x12] =	wrdreg s22;
	s22 =	sshll.u32 s22, $0x1  }
0x23: {  	s30 =	sadd.s32 s6, s16;
	[dreg:$0x11] =	wrdreg s23;
	s22 =	sadd.s32 s22, s21  }
0x24: {  	s25 =	sadd.s32 s10, s16;
	s10 =	smax.u32 s2, $0x1;
	[dreg:$0x13] =	wrdreg s22  }
0x25: {  	s17 =	sadd.s32 s13, s19;
	_ =	strace $0x80000047;
	[dreg:$0x15] =	wrdreg s26  }
0x26: {  	s23 =	sshrl.u32 s20, $0x3;
	s21 =	sadd.s32 s3, s19;
	[dreg:$0x16] =	wrdreg s0  }
0x27: {  	s3 =	sadd.s32 s9, s19;
	s9 =	sadd.s32 s15, s23;
	[dreg:$0x1d] =	wrdreg s21  }
0x28: {  	s13 =	sadd.s32 $0x180, s18;
	s20 =	sadd.s32 $0x4E300, s18;
	[smem:$0x7F6] =	sst s9  }
0x29: {  	s2 =	sshrl.u32 s13, $0x3;
	s13 =	simm.s32 $0x5;
	[smem:$0x7F7] =	sst s10  }
0x2a: {  	s4 =	sshrl.u32 s20, $0x3;
	s5 =	sadd.s32 s2, s15;
	[dreg:$0x17] =	wrdreg s28  }
0x2b: {  	s20 =	simm.s32 $0x7;
	s2 =	simm.s32 $0x4;
	[dreg:$0x18] =	wrdreg s29  }
0x2c: {  	s22 =	sshrl.u32 s14, $0x3;
	s14 =	sadd.s32 $0x4E380, s18;
	[dreg:$0x19] =	wrdreg s30  }
0x2d: {  	s7 =	sadd.s32 s4, s15;
	s18 =	simm.s32 $0x180;
	[dreg:$0x1a] =	wrdreg s31  }
0x2e: {  	s4 =	simm.s32 $0x2;
	s26 =	sadd.s32 s1, s16;
	[dreg:$0x1c] =	wrdreg s3  }
0x2f: {  	s1 =	sadd.s32 s8, s16;
	s24 =	sadd.s32 s15, s22;
	[dreg:$0x1e] =	wrdreg s17  }
0x30: {  	s0 =	sshrl.u32 s14, $0x3;
	s14 =	simm.s32 $0x220;
	[dreg:$0x1f] =	wrdreg s24  }
0x31: {  	s8 =	simm.s32 $0x4220;
	s9 =	simm.s32 $0x9220;
	[dreg:$0x1b] =	wrdreg s1  }
0x32: {  	s10 =	simm.s32 $0x3;
	s21 =	sadd.s32 $0x9C40, s24;
	[smem:$0x7FD] =	sst s26  }
.Ltmp0:
0x33: {  	s22 =	sadd.s32 $0x10, s24;
	[smem:$0x7F8] =	sst s21;
	(pc) =	sbr.rel .LBB2_1-.Ltmp0, $4  }
0x34: {  	s6 =	sadd.s32 s0, s15;
	s23 =	sadd.s32 $0x9C50, s24;
	[smem:$0x7F9] =	sst s22  }
0x35: {  	s24 =	sadd.s32 $0xA120, s24;
	s0 =	simm.s32 $0x0;
	[smem:$0x7FA] =	sst s23  }
0x36: {  	[smem:$0x7FB] =	sst s24;
	s22 =	simm.s32 $0x8A20;
	s21 =	simm.s32 $0x100  }
0x37: {  	s23 =	simm.s32 $0x80;
	s24 =	simm.s32 $0x6;
	[smem:$0x7FC] =	sst s0  }
.LBB2_4:
0x38: {  	s0 =	sld [smem:$0x7F6];
	_ =	sdelay $0x1  }
0x39: {  	s17 =	simm.s32 $0x200  }
0x3a: {  	[tilespmem:s17], [sflag:$0x7] =	stream.linear.gather [hbm4b:s0+s11], $0x10, $0x38;
	[tilespmem:$0x1FEA0] =	vst v63  }
0x3b: {  	_ =	swait.ge [sflag:s20], $0x10  }
0x3c: {  	s26 =	sld [smem:$0x7FB]  }
0x3d: {  	[sflag:s20] =	ssyncset.done $0x0  }
0x3e: {  	s25 =	simm.s32 $0x210;
	[sflag:s20] =	ssyncadd.s32 $0xFFFFFFF0  }
0x3f: {  	[tilespmem:s25], [sflag:$0x7] =	stream.linear.gather [hbm4b:s26+s11], $0x10, $0x38;
	[tilespmem:$0x1FEA0] =	vst v63  }
0x40: {  	_ =	swait.ge [sflag:s20], $0x10  }
0x41: {  	[sflag:s20] =	ssyncset.done $0x0  }
0x42: {  	s26 =	simm.s32 $0x9A20;
	s0 =	rddreg [dreg:$0x11];
	[sflag:s20] =	ssyncadd.s32 $0xFFFFFFF0  }
0x43: {  	[tilespmem:s26], [sflag:$0x7] =	stream.linear.gather [hbm4b:s0+s11], $0x100, $0x38;
	[tilespmem:$0x1FEA0] =	vst v63  }
0x44: {  	_ =	swait.ge [sflag:s20], $0x100  }
0x45: {  	[sflag:s20] =	ssyncset.done $0x0  }
0x46: {  	s28 =	simm.s32 $0x8220;
	s0 =	simm.s32 $0x10;
	[sflag:s20] =	ssyncadd.s32 $0xFFFFFF00  }
0x47: {  	[tilespmem:s28], [sflag:$0x3] =	stream.indirect.gather [hbm4b:s12+s0], $0x80, s17, s0, $0xb8;
	[tilespmem:$0x1FEA0] =	vst v63  }
0x48: {  	_ =	swait.ge [sflag:s10], $0x800  }
0x49: {  	[sflag:s10] =	ssyncset.done $0x0  }
0x4a: {  	[sflag:s10] =	ssyncadd.s32 $0xFFFFF800  }
0x4b: {  	[spmem:s16] =	stream.indirect.scatter.add.f32 [tilespmem:s28], [sflag:$0x5], $0x80, s25, s0, $0xb8;
	[tilespmem:$0x1FEA0] =	vst v63  }
0x4c: {  	_ = 	snop  }
0x4d: {  	[spmem:s19] =	stream.indirect.scatter.add.f32 [tilespmem:s26], [sflag:$0x5], $0x10, s25, s0, $0xb8;
	[tilespmem:$0x1FEA0] =	vst v63  }
0x4e: {  	_ =	swait.ge [sflag:s13], $0x800  }
0x4f: {  	[sflag:s13] =	ssyncset.done $0x0  }
0x50: {  	[sflag:s13] =	ssyncadd.s32 $0xFFFFF800  }
0x51: {  	_ =	swait.ge [sflag:s13], $0x100  }
0x52: {  	[sflag:s13] =	ssyncset.done $0x0  }
0x53: {  	[sflag:s13] =	ssyncadd.s32 $0xFFFFFF00  }
0x54: {  	[bflag:$0x0] =	sbarrier.arrive $0xFFFF  }
0x55: {  	[tilespmem:s14], [sflag:$0x7] =	stream.linear.gather [spmem:s1], $0x4000, $0x38;
	[tilespmem:$0x1FEA0] =	vst v63  }
0x56: {  	_ =	swait.ge [sflag:s20], $0x4000  }
0x57: {  	[sflag:s20] =	ssyncset.done $0x0  }
0x58: {  	s26 =	rddreg [dreg:$0x6];
	[sflag:s20] =	ssyncadd.s32 $0xFFFFC000  }
0x59: {  	[hbm4b:s26+s11] =	stream.linear.scatter [tilespmem:s14], [sflag:$0x7], $0x4000, $0x38;
	[tilespmem:$0x1FEA0] =	vst v63  }
0x5a: {  	_ =	swait.ge [sflag:s20], $0x4000  }
0x5b: {  	[sflag:s20] =	ssyncset.done $0x0  }
0x5c: {  	s1 =	rddreg [dreg:$0x1d];
	[sflag:s20] =	ssyncadd.s32 $0xFFFFC000  }
0x5d: {  	[tilespmem:s22], [sflag:$0x7] =	stream.linear.gather [spmem:s1], $0x800, $0x38;
	[tilespmem:$0x1FEA0] =	vst v63  }
0x5e: {  	_ =	swait.ge [sflag:s20], $0x800  }
0x5f: {  	[sflag:s20] =	ssyncset.done $0x0  }
0x60: {  	s17 =	rddreg [dreg:$0x7];
	[sflag:s20] =	ssyncadd.s32 $0xFFFFF800  }
0x61: {  	[hbm4b:s17+s11] =	stream.linear.scatter [tilespmem:s22], [sflag:$0x7], $0x800, $0x38;
	[tilespmem:$0x1FEA0] =	vst v63  }
0x62: {  	_ =	swait.ge [sflag:s20], $0x800  }
0x63: {  	[sflag:s20] =	ssyncset.done $0x0  }
0x64: {  	s28 =	rddreg [dreg:$0x17];
	[sflag:s20] =	ssyncadd.s32 $0xFFFFF800  }
0x65: {  	[tilespmem:s14], [sflag:$0x7] =	stream.linear.gather [spmem:s28], $0x4000, $0x38;
	[tilespmem:$0x1FEA0] =	vst v63  }
0x66: {  	_ =	swait.ge [sflag:s20], $0x4000  }
0x67: {  	[sflag:s20] =	ssyncset.done $0x0  }
0x68: {  	s25 =	rddreg [dreg:$0x8];
	[sflag:s20] =	ssyncadd.s32 $0xFFFFC000  }
0x69: {  	[hbm4b:s25+s11] =	stream.linear.scatter [tilespmem:s14], [sflag:$0x7], $0x4000, $0x38;
	[tilespmem:$0x1FEA0] =	vst v63  }
0x6a: {  	_ =	swait.ge [sflag:s20], $0x4000  }
0x6b: {  	[sflag:s20] =	ssyncset.done $0x0  }
0x6c: {  	s29 =	rddreg [dreg:$0x18];
	[sflag:s20] =	ssyncadd.s32 $0xFFFFC000  }
0x6d: {  	[tilespmem:s22], [sflag:$0x7] =	stream.linear.gather [spmem:s29], $0x800, $0x38;
	[tilespmem:$0x1FEA0] =	vst v63  }
0x6e: {  	_ =	swait.ge [sflag:s20], $0x800  }
0x6f: {  	[sflag:s20] =	ssyncset.done $0x0  }
0x70: {  	s26 =	rddreg [dreg:$0xc];
	[sflag:s20] =	ssyncadd.s32 $0xFFFFF800  }
0x71: {  	[hbm4b:s26+s11] =	stream.linear.scatter [tilespmem:s22], [sflag:$0x7], $0x800, $0x38;
	[tilespmem:$0x1FEA0] =	vst v63  }
0x72: {  	_ =	swait.ge [sflag:s20], $0x800  }
0x73: {  	[sflag:s20] =	ssyncset.done $0x0  }
0x74: {  	s30 =	rddreg [dreg:$0x19];
	[sflag:s20] =	ssyncadd.s32 $0xFFFFF800  }
0x75: {  	[tilespmem:s14], [sflag:$0x7] =	stream.linear.gather [spmem:s30], $0x4000, $0x38;
	[tilespmem:$0x1FEA0] =	vst v63  }
0x76: {  	_ =	swait.ge [sflag:s20], $0x4000  }
0x77: {  	[sflag:s20] =	ssyncset.done $0x0  }
0x78: {  	s1 =	rddreg [dreg:$0x9];
	[sflag:s20] =	ssyncadd.s32 $0xFFFFC000  }
0x79: {  	[hbm4b:s1+s11] =	stream.linear.scatter [tilespmem:s14], [sflag:$0x7], $0x4000, $0x38;
	[tilespmem:$0x1FEA0] =	vst v63  }
0x7a: {  	_ =	swait.ge [sflag:s20], $0x4000  }
0x7b: {  	[sflag:s20] =	ssyncset.done $0x0  }
0x7c: {  	s31 =	rddreg [dreg:$0x1a];
	[sflag:s20] =	ssyncadd.s32 $0xFFFFC000  }
0x7d: {  	[tilespmem:s22], [sflag:$0x7] =	stream.linear.gather [spmem:s31], $0x800, $0x38;
	[tilespmem:$0x1FEA0] =	vst v63  }
0x7e: {  	_ =	swait.ge [sflag:s20], $0x800  }
0x7f: {  	[sflag:s20] =	ssyncset.done $0x0  }
0x80: {  	s17 =	rddreg [dreg:$0xd];
	[sflag:s20] =	ssyncadd.s32 $0xFFFFF800  }
0x81: {  	[hbm4b:s17+s11] =	stream.linear.scatter [tilespmem:s22], [sflag:$0x7], $0x800, $0x38;
	[tilespmem:$0x1FEA0] =	vst v63  }
0x82: {  	_ =	swait.ge [sflag:s20], $0x800  }
0x83: {  	[sflag:s20] =	ssyncset.done $0x0  }
0x84: {  	s1 =	rddreg [dreg:$0x1b];
	[sflag:s20] =	ssyncadd.s32 $0xFFFFF800  }
0x85: {  	[tilespmem:s14], [sflag:$0x7] =	stream.linear.gather [spmem:s1], $0x4000, $0x38;
	[tilespmem:$0x1FEA0] =	vst v63  }
0x86: {  	_ =	swait.ge [sflag:s20], $0x4000  }
0x87: {  	[sflag:s20] =	ssyncset.done $0x0  }
0x88: {  	s25 =	rddreg [dreg:$0xa];
	[sflag:s20] =	ssyncadd.s32 $0xFFFFC000  }
0x89: {  	[hbm4b:s25+s11] =	stream.linear.scatter [tilespmem:s14], [sflag:$0x7], $0x4000, $0x38;
	[tilespmem:$0x1FEA0] =	vst v63  }
0x8a: {  	_ =	swait.ge [sflag:s20], $0x4000  }
0x8b: {  	[sflag:s20] =	ssyncset.done $0x0  }
0x8c: {  	s25 =	smov.u32 s3;
	s3 =	rddreg [dreg:$0x1c];
	[sflag:s20] =	ssyncadd.s32 $0xFFFFC000  }
0x8d: {  	[tilespmem:s22], [sflag:$0x7] =	stream.linear.gather [spmem:s3], $0x800, $0x38;
	[tilespmem:$0x1FEA0] =	vst v63  }
0x8e: {  	_ =	swait.ge [sflag:s20], $0x800  }
0x8f: {  	[sflag:s20] =	ssyncset.done $0x0  }
0x90: {  	s26 =	rddreg [dreg:$0xe];
	[sflag:s20] =	ssyncadd.s32 $0xFFFFF800  }
0x91: {  	[hbm4b:s26+s11] =	stream.linear.scatter [tilespmem:s22], [sflag:$0x7], $0x800, $0x38;
	[tilespmem:$0x1FEA0] =	vst v63  }
0x92: {  	_ =	swait.ge [sflag:s20], $0x800  }
0x93: {  	[sflag:s20] =	ssyncset.done $0x0  }
0x94: {  	[sflag:s20] =	ssyncadd.s32 $0xFFFFF800  }
0x95: {  	[tilespmem:s14], [sflag:$0x7] =	stream.linear.gather [spmem:s25], $0x3C00, $0x38;
	[tilespmem:$0x1FEA0] =	vst v63  }
0x96: {  	_ =	swait.ge [sflag:s20], $0x3C00  }
0x97: {  	[sflag:s20] =	ssyncset.done $0x0  }
0x98: {  	s17 =	rddreg [dreg:$0xb];
	[sflag:s20] =	ssyncadd.s32 $0xFFFFC400  }
0x99: {  	[hbm4b:s17+s11] =	stream.linear.scatter [tilespmem:s14], [sflag:$0x7], $0x3C00, $0x38;
	[tilespmem:$0x1FEA0] =	vst v63  }
0x9a: {  	_ =	swait.ge [sflag:s20], $0x3C00  }
0x9b: {  	[sflag:s20] =	ssyncset.done $0x0  }
0x9c: {  	s17 =	rddreg [dreg:$0x1e];
	[sflag:s20] =	ssyncadd.s32 $0xFFFFC400  }
0x9d: {  	[tilespmem:s22], [sflag:$0x7] =	stream.linear.gather [spmem:s17], $0x780, $0x38;
	[tilespmem:$0x1FEA0] =	vst v63  }
0x9e: {  	_ =	swait.ge [sflag:s20], $0x780  }
0x9f: {  	[sflag:s20] =	ssyncset.done $0x0  }
0xa0: {  	s26 =	rddreg [dreg:$0xf];
	[sflag:s20] =	ssyncadd.s32 $0xFFFFF880  }
0xa1: {  	[hbm4b:s26+s11] =	stream.linear.scatter [tilespmem:s22], [sflag:$0x7], $0x780, $0x38;
	[tilespmem:$0x1FEA0] =	vst v63  }
0xa2: {  	_ =	swait.ge [sflag:s20], $0x780  }
0xa3: {  	s0 =	sld [smem:$0x7FC];
	_ =	sdelay $0x2  }
0xa4: {  	s26 =	sadd.s32 $0x1, s0;
	s0 =	sld [smem:$0x7F7];
	_ =	sdelay $0x2  }
0xa5: {  	p0 =	sne.s32 s26, s0  }
.Ltmp1:
0xa6: {  	_ = 	snop;
	(pc) =	sbr.rel @!p0 .LBB2_5-.Ltmp1, $3  }
0xa7: {  	_ =	sdelay $0x1  }
0xa8: {  	[sflag:s20] =	ssyncset.done $0x0;
	[smem:$0x7FC] =	sst s26  }
0xa9: {  	[sflag:s20] =	ssyncadd.s32 $0xFFFFF880;
	s26 =	sld [smem:$0x7FD]  }
.LBB2_1:
0xaa: {  	s0 =	rddreg [dreg:$0x15]  }
0xab: {  	[tilespmem:s14], [sflag:$0x7] =	stream.linear.gather [hbm4b:s0+s11], $0x4000, $0x38;
	[tilespmem:$0x1FEA0] =	vst v63  }
0xac: {  	_ =	swait.ge [sflag:s20], $0x4000  }
0xad: {  	[sflag:s20] =	ssyncset.done $0x0  }
0xae: {  	s0 =	rddreg [dreg:$0x16];
	[sflag:s20] =	ssyncadd.s32 $0xFFFFC000  }
0xaf: {  	[tilespmem:s22], [sflag:$0x7] =	stream.linear.gather [hbm4b:s0+s11], $0x800, $0x38;
	[tilespmem:$0x1FEA0] =	vst v63  }
0xb0: {  	_ =	swait.ge [sflag:s20], $0x800  }
0xb1: {  	[sflag:s20] =	ssyncset.done $0x0  }
0xb2: {  	[sflag:s20] =	ssyncadd.s32 $0xFFFFF800  }
0xb3: {  	[spmem:s26] =	stream.linear.scatter [tilespmem:s14], [sflag:$0x7], $0x4000, $0x38;
	[tilespmem:$0x1FEA0] =	vst v63  }
0xb4: {  	_ =	swait.ge [sflag:s20], $0x4000  }
0xb5: {  	s0 =	smov.u32 s1;
	[sflag:s20] =	ssyncset.done $0x0  }
0xb6: {  	s1 =	smov.u32 s26;
	s26 =	rddreg [dreg:$0x1d];
	[sflag:s20] =	ssyncadd.s32 $0xFFFFC000  }
0xb7: {  	[spmem:s26] =	stream.linear.scatter [tilespmem:s22], [sflag:$0x7], $0x800, $0x38;
	[tilespmem:$0x1FEA0] =	vst v63  }
0xb8: {  	_ =	swait.ge [sflag:s20], $0x800  }
0xb9: {  	[sflag:s20] =	ssyncset.done $0x0  }
0xba: {  	[sflag:s20] =	ssyncadd.s32 $0xFFFFF800  }
0xbb: {  	[spmem:s28] =	stream.linear.scatter [tilespmem:s14], [sflag:$0x7], $0x4000, $0x38;
	[tilespmem:$0x1FEA0] =	vst v63  }
0xbc: {  	_ =	swait.ge [sflag:s20], $0x4000  }
0xbd: {  	[sflag:s20] =	ssyncset.done $0x0  }
0xbe: {  	[sflag:s20] =	ssyncadd.s32 $0xFFFFC000  }
0xbf: {  	[spmem:s29] =	stream.linear.scatter [tilespmem:s22], [sflag:$0x7], $0x800, $0x38;
	[tilespmem:$0x1FEA0] =	vst v63  }
0xc0: {  	_ =	swait.ge [sflag:s20], $0x800  }
0xc1: {  	[sflag:s20] =	ssyncset.done $0x0  }
0xc2: {  	[sflag:s20] =	ssyncadd.s32 $0xFFFFF800  }
0xc3: {  	[spmem:s30] =	stream.linear.scatter [tilespmem:s14], [sflag:$0x7], $0x4000, $0x38;
	[tilespmem:$0x1FEA0] =	vst v63  }
0xc4: {  	_ =	swait.ge [sflag:s20], $0x4000  }
0xc5: {  	[sflag:s20] =	ssyncset.done $0x0  }
0xc6: {  	[sflag:s20] =	ssyncadd.s32 $0xFFFFC000  }
0xc7: {  	[spmem:s31] =	stream.linear.scatter [tilespmem:s22], [sflag:$0x7], $0x800, $0x38;
	[tilespmem:$0x1FEA0] =	vst v63  }
0xc8: {  	_ =	swait.ge [sflag:s20], $0x800  }
0xc9: {  	[sflag:s20] =	ssyncset.done $0x0  }
0xca: {  	[sflag:s20] =	ssyncadd.s32 $0xFFFFF800  }
0xcb: {  	[spmem:s0] =	stream.linear.scatter [tilespmem:s14], [sflag:$0x7], $0x4000, $0x38;
	[tilespmem:$0x1FEA0] =	vst v63  }
0xcc: {  	_ =	swait.ge [sflag:s20], $0x4000  }
0xcd: {  	[sflag:s20] =	ssyncset.done $0x0  }
0xce: {  	[sflag:s20] =	ssyncadd.s32 $0xFFFFC000  }
0xcf: {  	[spmem:s3] =	stream.linear.scatter [tilespmem:s22], [sflag:$0x7], $0x800, $0x38;
	[tilespmem:$0x1FEA0] =	vst v63  }
0xd0: {  	_ =	swait.ge [sflag:s20], $0x800  }
0xd1: {  	[sflag:s20] =	ssyncset.done $0x0  }
0xd2: {  	[sflag:s20] =	ssyncadd.s32 $0xFFFFF800  }
0xd3: {  	[spmem:s25] =	stream.linear.scatter [tilespmem:s14], [sflag:$0x7], $0x3C00, $0x38;
	[tilespmem:$0x1FEA0] =	vst v63  }
0xd4: {  	_ =	swait.ge [sflag:s20], $0x3C00  }
0xd5: {  	[sflag:s20] =	ssyncset.done $0x0  }
0xd6: {  	[sflag:s20] =	ssyncadd.s32 $0xFFFFC400  }
0xd7: {  	[spmem:s17] =	stream.linear.scatter [tilespmem:s22], [sflag:$0x7], $0x780, $0x38;
	[tilespmem:$0x1FEA0] =	vst v63  }
0xd8: {  	_ =	swait.ge [sflag:s20], $0x780  }
0xd9: {  	[sflag:s20] =	ssyncset.done $0x0  }
0xda: {  	[sflag:s20] =	ssyncadd.s32 $0xFFFFF880  }
0xdb: {  	[bflag:$0x0] =	sbarrier.arrive $0xFFFF  }
0xdc: {  	s26 =	rddreg [dreg:$0x1f]  }
0xdd: {  	s31 =	sld [smem:$0x7F8]  }
0xde: {  	[tilespmem:s11], [sflag:$0x1] =	stream.linear.gather [hbm4b:s26+s11], $0x80, $0x38;
	[tilespmem:$0x1FEA0] =	vst v63  }
0xdf: {  	s3 =	sld [smem:$0x7F9]  }
0xe0: {  	[tilespmem:s21], [sflag:$0x1] =	stream.linear.gather [hbm4b:s31+s11], $0x80, $0x38;
	[tilespmem:$0x1FEA0] =	vst v63  }
0xe1: {  	s17 =	sld [smem:$0x7FA]  }
0xe2: {  	[tilespmem:s23], [sflag:$0x2] =	stream.linear.gather [hbm4b:s3+s11], $0x80, $0x38;
	[tilespmem:$0x1FEA0] =	vst v63  }
0xe3: {  	s26 =	simm.s32 $0x1  }
0xe4: {  	[tilespmem:s18], [sflag:$0x2] =	stream.linear.gather [hbm4b:s17+s11], $0x80, $0x38;
	[tilespmem:$0x1FEA0] =	vst v63  }
0xe5: {  	_ =	swait.ge [sflag:s26], $0x80  }
0xe6: {  	[sflag:s26] =	ssyncset.done $0x0  }
0xe7: {  	[sflag:s26] =	ssyncadd.s32 $0xFFFFFF80  }
0xe8: {  	_ =	swait.ge [sflag:s26], $0x80  }
0xe9: {  	s31 =	rddreg [dreg:$0x10]  }
0xea: {  	[sflag:s26] =	ssyncset.done $0x0;
	s28 =	rddreg [dreg:$0x12]  }
0xeb: {  	s29 =	rddreg [dreg:$0x13];
	[sflag:s26] =	ssyncadd.s32 $0xFFFFFF80  }
0xec: {  	[tilespmem:s14], [sflag:$0x3] =	stream.indirect.gather [hbm4b:s12+s23], $0x80, s11, s23, $0xb8;
	[tilespmem:$0x1FEA0] =	vst v63  }
0xed: {  	s30 =	simm.s32 $0x0;
	s3 =	smov.u32 s25;
	s26 =	rddreg [dreg:$0x14]  }
0xee: {  	[tilespmem:s22], [sflag:$0x3] =	stream.linear.gather [hbm4b:s31+s11], $0x800, $0x38;
	[tilespmem:$0x1FEA0] =	vst v63  }
.LBB2_2:
0xef: {  	_ =	swait.ge [sflag:s4], $0x80  }
0xf0: {  	[sflag:s4] =	ssyncset.done $0x0  }
0xf1: {  	[sflag:s4] =	ssyncadd.s32 $0xFFFFFF80  }
0xf2: {  	_ =	swait.ge [sflag:s4], $0x80  }
0xf3: {  	[sflag:s4] =	ssyncset.done $0x0  }
0xf4: {  	[sflag:s4] =	ssyncadd.s32 $0xFFFFFF80  }
0xf5: {  	[tilespmem:s8], [sflag:$0x4] =	stream.indirect.gather [hbm4b:s12+s23], $0x80, s23, s23, $0xb8;
	[tilespmem:$0x1FEA0] =	vst v63  }
0xf6: {  	_ = 	snop  }
0xf7: {  	[tilespmem:s9], [sflag:$0x4] =	stream.linear.gather [hbm4b:s26+s11], $0x800, $0x38;
	[tilespmem:$0x1FEA0] =	vst v63  }
0xf8: {  	_ =	swait.ge [sflag:s10], $0x4000  }
0xf9: {  	[sflag:s10] =	ssyncset.done $0x0  }
0xfa: {  	[sflag:s10] =	ssyncadd.s32 $0xFFFFC000  }
0xfb: {  	_ =	swait.ge [sflag:s10], $0x800  }
0xfc: {  	[sflag:s10] =	ssyncset.done $0x0  }
0xfd: {  	[sflag:s10] =	ssyncadd.s32 $0xFFFFF800  }
0xfe: {  	[spmem:s16] =	stream.indirect.scatter.add.f32 [tilespmem:s14], [sflag:$0x5], $0x80, s21, s23, $0xb8;
	[tilespmem:$0x1FEA0] =	vst v63  }
0xff: {  	_ = 	snop  }
0x100: {  	[spmem:s19] =	stream.indirect.scatter.add.f32 [tilespmem:s22], [sflag:$0x5], $0x10, s21, s23, $0xb8;
	[tilespmem:$0x1FEA0] =	vst v63  }
0x101: {  	_ =	swait.ge [sflag:s13], $0x4000  }
0x102: {  	[sflag:s13] =	ssyncset.done $0x0  }
0x103: {  	[sflag:s13] =	ssyncadd.s32 $0xFFFFC000  }
0x104: {  	p0 =	seq.s32 s30, $0x4C0;
	_ =	swait.ge [sflag:s13], $0x800  }
0x105: {  	s31 =	sshrl.u32 @!p0 s28, $0x3;
	[sflag:s13] =	ssyncset.done $0x0  }
0x106: {  	s17 =	simm.s32 @!p0 $0x0;
	s31 =	sadd.s32 @!p0 s15, s31;
	[sflag:s13] =	ssyncadd.s32 $0xFFFFF800  }
0x107: {  	[tilespmem:s17], [sflag:$0x1] =	stream.linear.gather @!p0 [hbm4b:s31+s17], $0x80, $0x38;
	[tilespmem:$0x1FEA0] =	vst v63  }
0x108: {  	s0 =	simm.s32 @!p0 $0x100;
	s31 =	sadd.s32 @!p0 s30, s7  }
0x109: {  	[tilespmem:s0], [sflag:$0x1] =	stream.linear.gather @!p0 [hbm4b:s31+s17], $0x80, $0x38;
	[tilespmem:$0x1FEA0] =	vst v63  }
0x10a: {  	s0 =	simm.s32 @!p0 $0x1  }
0x10b: {  	_ =	swait.ge @!p0 [sflag:s0], $0x80  }
0x10c: {  	[sflag:s0] =	ssyncset.done @!p0 $0x0  }
0x10d: {  	[sflag:s0] =	ssyncadd.s32 @!p0 $0xFFFFFF80  }
0x10e: {  	_ =	swait.ge @!p0 [sflag:s0], $0x80  }
0x10f: {  	[sflag:s0] =	ssyncset.done @!p0 $0x0  }
0x110: {  	s31 =	simm.s32 @!p0 $0x220;
	[sflag:s0] =	ssyncadd.s32 @!p0 $0xFFFFFF80;
	s0 =	simm.s32 @!p0 $0x80  }
0x111: {  	[tilespmem:s31], [sflag:$0x3] =	stream.indirect.gather @!p0 [hbm4b:s12+s0], $0x80, s17, s0, $0xb8;
	[tilespmem:$0x1FEA0] =	vst v63  }
0x112: {  	s0 =	simm.s32 @!p0 $0x8A20  }
0x113: {  	[tilespmem:s0], [sflag:$0x3] =	stream.linear.gather @!p0 [hbm4b:s29+s17], $0x800, $0x38;
	[tilespmem:$0x1FEA0] =	vst v63  }
0x114: {  	_ =	swait.ge [sflag:s2], $0x4000  }
0x115: {  	[sflag:s2] =	ssyncset.done $0x0  }
0x116: {  	[sflag:s2] =	ssyncadd.s32 $0xFFFFC000  }
0x117: {  	_ =	swait.ge [sflag:s2], $0x800  }
0x118: {  	[sflag:s2] =	ssyncset.done $0x0  }
0x119: {  	[sflag:s2] =	ssyncadd.s32 $0xFFFFF800  }
0x11a: {  	[spmem:s16] =	stream.indirect.scatter.add.f32 [tilespmem:s8], [sflag:$0x6], $0x80, s18, s23, $0xb8;
	[tilespmem:$0x1FEA0] =	vst v63  }
0x11b: {  	_ = 	snop  }
0x11c: {  	[spmem:s19] =	stream.indirect.scatter.add.f32 [tilespmem:s9], [sflag:$0x6], $0x10, s18, s23, $0xb8;
	[tilespmem:$0x1FEA0] =	vst v63  }
0x11d: {  	_ =	swait.ge [sflag:s24], $0x4000  }
.Ltmp2:
0x11e: {  	[sflag:s24] =	ssyncset.done $0x0;
	(pc) =	sbr.rel @p0 .LBB2_4-.Ltmp2, $4  }
0x11f: {  	[sflag:s24] =	ssyncadd.s32 $0xFFFFC000  }
0x120: {  	_ =	swait.ge [sflag:s24], $0x800  }
0x121: {  	[sflag:s24] =	ssyncset.done $0x0  }
0x122: {  	[sflag:s24] =	ssyncadd.s32 $0xFFFFF800  }
.Ltmp3:
0x123: {  	(pc) =	sbr.rel .LBB2_2-.Ltmp3, $4  }
0x124: {  	s0 =	sadd.s32 s30, s5;
	s31 =	sadd.s32 s30, s6;
	s30 =	sadd.s32 $0x20, s30  }
0x125: {  	[tilespmem:s23], [sflag:$0x2] =	stream.linear.gather [hbm4b:s0+s11], $0x80, $0x38;
	[tilespmem:$0x1FEA0] =	vst v63  }
0x126: {  	s29 =	sadd.s32 $0x200, s29;
	s28 =	sadd.s32 $0x100, s28;
	s26 =	sadd.s32 $0x200, s26  }
0x127: {  	[tilespmem:s18], [sflag:$0x2] =	stream.linear.gather [hbm4b:s31+s11], $0x80, $0x38;
	[tilespmem:$0x1FEA0] =	vst v63  }
.LBB2_5:
0x128: {  	_ =	sfence.sel $0x180000  }
0x129: {  	[bflag:$0x0] =	sbarrier.arrive $0xFFFF  }
0x12a: {  	_ =	strace $0x90000047  }
0x12b: {  	s0 =	stileid.u32;
	[bflag:$0x2] =	sbarrier.arrive $0xFFFF  }
0x12c: {  	p0 =	sne.s32 s0, $0x0;
	s0 =	rddreg [dreg:$0x5]  }
0x12d: {  	s0 =	sadd.s32 @!p0 $0x100000, s0  }
0x12e: {  	[sflag:s0] =	ssyncadd.tile.s32 @!p0 $0x1;
	_ =	shalt  }
.Lfunc_end2:
_tile_overlayer_lowered:
.L_overlay_start_2:
0x12f: {  	(tag) =	ssettag $0x2  }
0x130: {  	s0 =	rddreg [dreg:$0x0];
	s2 =	stileid.u32  }
0x131: {  	s1 =	rddreg [dreg:$0x1];
	p0 =	sne.s32 s2, $0x0  }
0x132: {  	s3 =	rddreg [dreg:$0x2];
	[bflag:$0x3] =	sbarrier.arrive $0xFFFF;
	s2 =	simm.s32 @!p0 $0x1C07  }
0x133: {  	[timem:s3], [sflag:s2] =	dma.local @!p0 [hbm:s0], s1  }
0x134: {  	s0 =	simm.s32 @!p0 $0x7  }
0x135: {  	_ =	swait.ge @!p0 [sflag:s0], s1  }
0x136: {  	s1 =	ssub.s32 @!p0 $0x0, s1;
	[sflag:s0] =	ssyncset.done @!p0 $0x0  }
0x137: {  	[sflag:s0] =	ssyncadd.s32 @!p0 s1  }
0x138: {  	[bflag:$0x3] =	sbarrier.arrive $0xFFFF  }
0x139: {  	_ =	shalt  }

</sc_bundles>
